<compile_context>
chip_gen: v7x
topology: tpu7x:2x2x1
jax: 0.10.2.dev20260603
libtpu: 0.0.44.dev20260713+nightly
codegen_flags: <defaults>
</compile_context>

<pallas_src>
import functools

import jax
import jax.numpy as jnp
from jax import lax
from jax.experimental import pallas as pl
from jax.experimental.pallas import tpu as pltpu
from jax.experimental.pallas import tpu_sc as plsc

NC, NS = 2, 16
NW = NC * NS
LN_EPS_ = 1e-3
N_SPLIT = 2


def _sc_gather_chunk(table, ids, k):
    batch, seq = ids.shape
    h = table.shape[1]
    s_chunk = seq // N_SPLIT
    csize = batch * s_chunk
    b_per_w = csize // NW
    w_per_batch = NW // batch
    chunk = min(64, b_per_w)
    n_chunks = b_per_w // chunk

    mesh = plsc.VectorSubcoreMesh(
        core_axis_name="c", subcore_axis_name="s",
        num_cores=NC, num_subcores=NS)

    @functools.partial(
        pl.kernel,
        mesh=mesh,
        out_type=jax.ShapeDtypeStruct((csize, h), jnp.float32),
        scratch_types=[
            pltpu.VMEM((b_per_w,), jnp.int32),
            pltpu.VMEM((chunk, h), jnp.float32),
            pltpu.VMEM((chunk, h), jnp.float32),
            pltpu.SemaphoreType.DMA,
            pltpu.SemaphoreType.DMA,
        ],
    )
    def gather_kernel(table_hbm, ids_hbm, out_hbm, idx_v, rows0, rows1,
                      sem0, sem1):
        wid = lax.axis_index("s") * NC + lax.axis_index("c")
        row = wid // w_per_batch
        col = k * s_chunk + (wid % w_per_batch) * b_per_w
        dst_base = wid * b_per_w
        bufs = (rows0, rows1)
        sems = (sem0, sem1)

        pltpu.sync_copy(ids_hbm.at[row, pl.ds(col, b_per_w)], idx_v)

        def start(c):
            return pltpu.async_copy(
                table_hbm.at[idx_v.at[pl.ds(c * chunk, chunk)]],
                bufs[c % 2], sems[c % 2])

        cp = start(0)
        for c in range(n_chunks):
            cp.wait()
            if c + 1 < n_chunks:
                cp = start(c + 1)
            pltpu.sync_copy(bufs[c % 2],
                            out_hbm.at[pl.ds(dst_base + c * chunk, chunk)])

    return gather_kernel(table, ids)


def _tc_add_ln_chunk(gathered, tt3, type_emb, pos_emb, gamma, beta,
                     batch, seq, k, out_prev):
    csize, h = gathered.shape
    s_chunk = csize // batch
    t_blk = s_chunk
    grid = csize // t_blk
    blk_per_seq = seq // t_blk

    def body(x_ref, tt_ref, te_ref, pos_ref, g_ref, b_ref, *rest):
        o_ref = rest[-1]
        x = x_ref[...]
        t0 = te_ref[0:1, :]
        dt = te_ref[1:2, :] - t0
        ttf = tt_ref[0, 0, :].astype(jnp.float32).reshape(t_blk, 1)
        x = x + pos_ref[...] + t0 + ttf * dt
        m = jnp.mean(x, axis=-1, keepdims=True)
        d = x - m
        v = jnp.mean(d * d, axis=-1, keepdims=True)
        o_ref[...] = d * lax.rsqrt(v + LN_EPS_) * g_ref[...] + b_ref[...]

    def blk(i):
        return i * blk_per_seq + k

    in_specs = [
        pl.BlockSpec((t_blk, h), lambda i: (i, 0)),
        pl.BlockSpec((1, 1, t_blk), lambda i: (blk(i), 0, 0)),
        pl.BlockSpec((2, h), lambda i: (0, 0)),
        pl.BlockSpec((t_blk, h), lambda i: (k, 0)),
        pl.BlockSpec((1, h), lambda i: (0, 0)),
        pl.BlockSpec((1, h), lambda i: (0, 0)),
    ]
    args = [gathered, tt3, type_emb, pos_emb, gamma, beta]
    aliases = {}
    if out_prev is not None:
        in_specs.append(pl.BlockSpec((8, 128), lambda i: (0, 0)))
        args.append(out_prev)
        aliases = {6: 0}

    return pl.pallas_call(
        body,
        grid=(grid,),
        in_specs=in_specs,
        out_specs=pl.BlockSpec((t_blk, h), lambda i: (blk(i), 0)),
        out_shape=jax.ShapeDtypeStruct((batch * seq, h), jnp.float32),
        input_output_aliases=aliases,
    )(*args)


def kernel(input_ids, token_type_ids, word_embeddings, token_type_embeddings,
           position_embeddings, ln_gamma, ln_beta):
    b, s = input_ids.shape
    h = word_embeddings.shape[1]
    s_chunk = s // N_SPLIT
    ids = input_ids.astype(jnp.int32)
    tt3 = token_type_ids.astype(jnp.int32).reshape(b * s // s_chunk, 1, s_chunk)
    if position_embeddings.shape[0] != s:
        pos = lax.dynamic_slice_in_dim(position_embeddings, 0, s, axis=0)
    else:
        pos = position_embeddings
    gamma = ln_gamma.reshape(1, h)
    beta = ln_beta.reshape(1, h)

    out = None
    for k in range(N_SPLIT):
        g_k = _sc_gather_chunk(word_embeddings, ids, k)
        out = _tc_add_ln_chunk(g_k, tt3, token_type_embeddings, pos,
                               gamma, beta, b, s, k, out)
    return out.reshape(b, s, h)

# --- scband reference (transcript-rebuilt; emitter-appended) ---
"""Pipeline reference for scband-input-embedding-33629593927748 (READ-ONLY COPY).

The authoritative reference and input builder live on the scoring server;
editing this copy changes nothing except your own understanding.
"""

import jax, jax.numpy as jnp
import numpy as np

B, S, V, H, P = 4, 2048, 100000, 768, 2048
LN_EPS = 1e-3  # Keras LayerNormalization default epsilon


def setup_inputs(seed: int = 0) -> dict:
    key = jax.random.key(seed)
    k1, k2, k3, k4, k5 = jax.random.split(key, 5)
    return {
        "input_ids": jax.random.randint(k1, (B, S), 0, V),
        "token_type_ids": jax.random.randint(k2, (B, S), 0, 2),
        "word_embeddings": jax.random.normal(k3, (V, H), dtype=jnp.float32) * 0.02,
        "token_type_embeddings": jax.random.normal(k4, (2, H), dtype=jnp.float32) * 0.02,
        "position_embeddings": jax.random.normal(k5, (P, H), dtype=jnp.float32) * 0.02,
        "ln_gamma": jnp.ones((H,), dtype=jnp.float32),
        "ln_beta": jnp.zeros((H,), dtype=jnp.float32),
    }


def reference(input_ids, token_type_ids, word_embeddings, token_type_embeddings, position_embeddings, ln_gamma, ln_beta):
    seq_len = input_ids.shape[1]
    # word embedding lookup (gather)
    out = jnp.take(word_embeddings, input_ids, axis=0)
    # token type embedding lookup (gather)
    out = out + jnp.take(token_type_embeddings, token_type_ids, axis=0)
    # position embedding: slice first seq_len rows, broadcast over batch
    pos = jax.lax.dynamic_slice_in_dim(position_embeddings, 0, seq_len, axis=0)
    out = out + pos[None, :, :]
    # LayerNormalization over last axis (Keras default eps=1e-3)
    mean = jnp.mean(out, axis=-1, keepdims=True)
    var = jnp.var(out, axis=-1, keepdims=True)
    out = (out - mean) / jnp.sqrt(var + LN_EPS)
    out = out * ln_gamma + ln_beta
    # Dropout is identity in inference mode
    return out

if __name__ == "__main__":
    import jax
    _d = setup_inputs()
    print(jax.jit(kernel)(*tuple(_d.values())))

</pallas_src>

<mosaic_0001>
#map = affine_map<(d0, d1) -> (0, 0)>
module attributes {stable_mosaic.version = 14 : i64} {
  func.func @gather_kernel(%arg0: i32, %arg1: i32, %arg2: memref<100000x768xf32, #tpu.memory_space<hbm>>, %arg3: memref<4x2048xi32, #tpu.memory_space<hbm>>, %arg4: memref<4096x768xf32, #tpu.memory_space<hbm>>, %arg5: memref<128xi32, #tpu.memory_space<vmem>>, %arg6: memref<64x768xf32, #tpu.memory_space<vmem>>, %arg7: memref<64x768xf32, #tpu.memory_space<vmem>>, %arg8: memref<!tpu.dma_semaphore, #tpu.memory_space<semaphore_mem>>, %arg9: memref<!tpu.dma_semaphore, #tpu.memory_space<semaphore_mem>>) attributes {dimension_semantics = [#tpu.dimension_semantics<core_parallel>, #tpu.dimension_semantics<subcore_parallel>], iteration_bounds = array<i64: 2, 16>, scalar_prefetch = 0 : i64, scratch_operands = 5 : i64, tpu.core_type = #tpu.core_type<sc_vector_subcore>, window_params = [{transform_indices = #map}, {transform_indices = #map}, {transform_indices = #map}]} {
    %mul3A = arith.constant 2 : i32
    %mul3A_0 = arith.muli %arg1, %mul3A : i32
    %add3A = arith.addi %mul3A_0, %arg0 : i32
    %jit3A = arith.constant 8 : i32
    %div3A = arith.divsi %add3A, %jit3A : i32
    %sign3A = arith.constant 0 : i32
    %sign3A_1 = arith.cmpi sgt, %add3A, %sign3A : i32
    %sign3A_2 = arith.extui %sign3A_1 : i1 to i32
    %sign3A_3 = arith.constant 0 : i32
    %sign3A_4 = arith.cmpi slt, %add3A, %sign3A_3 : i32
    %sign3A_5 = arith.extui %sign3A_4 : i1 to i32
    %sign3A_6 = arith.subi %sign3A_2, %sign3A_5 : i32
    %sign3A_7 = arith.constant 0 : i32
    %sign3A_8 = arith.cmpi sgt, %jit3A, %sign3A_7 : i32
    %sign3A_9 = arith.extui %sign3A_8 : i1 to i32
    %sign3A_10 = arith.constant 0 : i32
    %sign3A_11 = arith.cmpi slt, %jit3A, %sign3A_10 : i32
    %sign3A_12 = arith.extui %sign3A_11 : i1 to i32
    %sign3A_13 = arith.subi %sign3A_9, %sign3A_12 : i32
    %ne3A = arith.cmpi ne, %sign3A_6, %sign3A_13 : i32
    %rem3A = arith.remsi %add3A, %jit3A : i32
    %ne3A_14 = arith.constant 0 : i32
    %ne3A_15 = arith.cmpi ne, %rem3A, %ne3A_14 : i32
    %and3A = arith.andi %ne3A, %ne3A_15 : i1
    %sub3A = arith.constant 1 : i32
    %sub3A_16 = arith.subi %div3A, %sub3A : i32
    %select_n3A = arith.select %and3A, %sub3A_16, %div3A : i32
    %jit3A_17 = arith.constant 8 : i32
    %eq3A = arith.constant 0 : i32
    %eq3A_18 = arith.cmpi eq, %jit3A_17, %eq3A : i32
    %jit3A_19 = arith.constant 1 : i32
    %select_n3A_20 = arith.select %eq3A_18, %jit3A_19, %jit3A_17 : i32
    %rem3A_21 = arith.remsi %add3A, %select_n3A_20 : i32
    %ne3A_22 = arith.constant 0 : i32
    %ne3A_23 = arith.cmpi ne, %rem3A_21, %ne3A_22 : i32
    %lt3A = arith.constant 0 : i32
    %lt3A_24 = arith.cmpi slt, %rem3A_21, %lt3A : i32
    %lt3A_25 = arith.constant 0 : i32
    %lt3A_26 = arith.cmpi slt, %select_n3A_20, %lt3A_25 : i32
    %ne3A_27 = arith.xori %lt3A_24, %lt3A_26 : i1
    %and3A_28 = arith.andi %ne3A_27, %ne3A_23 : i1
    %add3A_29 = arith.addi %rem3A_21, %select_n3A_20 : i32
    %select_n3A_30 = arith.select %and3A_28, %add3A_29, %rem3A_21 : i32
    %mul3A_31 = arith.constant 128 : i32
    %mul3A_32 = arith.muli %select_n3A_30, %mul3A_31 : i32
    %add3A_33 = arith.constant 1024 : i32
    %add3A_34 = arith.addi %add3A_33, %mul3A_32 : i32
    %mul3A_35 = arith.constant 128 : i32
    %mul3A_36 = arith.muli %add3A, %mul3A_35 : i32
    "tpu.region"() ({
      %run_scoped3A = tpu.sem_alloc : memref<!tpu.dma_semaphore, #tpu.memory_space<semaphore_mem>>
      %dma_start3A_59 = tpu.memref_slice %arg3[%select_n3A, %add3A_34] : memref<4x2048xi32, #tpu.memory_space<hbm>> -> memref<1x128xi32, #tpu.memory_space<hbm>>
      %dma_start3A_60 = tpu.memref_squeeze %dma_start3A_59 : memref<1x128xi32, #tpu.memory_space<hbm>> -> memref<128xi32, #tpu.memory_space<hbm>>
      %dma_start3A_61 = tpu.memref_slice %arg3[%select_n3A, %add3A_34] : memref<4x2048xi32, #tpu.memory_space<hbm>> -> memref<1x128xi32, #tpu.memory_space<hbm>>
      %dma_start3A_62 = tpu.memref_squeeze %dma_start3A_61 : memref<1x128xi32, #tpu.memory_space<hbm>> -> memref<128xi32, #tpu.memory_space<hbm>>
      tpu.enqueue_dma source(%dma_start3A_62 : memref<128xi32, #tpu.memory_space<hbm>>) target(%arg5 : memref<128xi32, #tpu.memory_space<vmem>>) target_semaphore(%run_scoped3A : memref<!tpu.dma_semaphore, #tpu.memory_space<semaphore_mem>>)
      %dma_wait3A_63 = tpu.memref_slice %arg3[%select_n3A, %add3A_34] : memref<4x2048xi32, #tpu.memory_space<hbm>> -> memref<1x128xi32, #tpu.memory_space<hbm>>
      %dma_wait3A_64 = tpu.memref_squeeze %dma_wait3A_63 : memref<1x128xi32, #tpu.memory_space<hbm>> -> memref<128xi32, #tpu.memory_space<hbm>>
      %dma_wait3A_65 = tpu.memref_slice %arg3[%select_n3A, %add3A_34] : memref<4x2048xi32, #tpu.memory_space<hbm>> -> memref<1x128xi32, #tpu.memory_space<hbm>>
      %dma_wait3A_66 = tpu.memref_squeeze %dma_wait3A_65 : memref<1x128xi32, #tpu.memory_space<hbm>> -> memref<128xi32, #tpu.memory_space<hbm>>
      tpu.wait_dma2 semaphore(%run_scoped3A : memref<!tpu.dma_semaphore, #tpu.memory_space<semaphore_mem>>) src(%dma_wait3A_66 : memref<128xi32, #tpu.memory_space<hbm>>) dst(%arg5 : memref<128xi32, #tpu.memory_space<vmem>>)
      tpu.yield
    }) : () -> ()
    %dma_start3A = arith.constant 0 : i32
    %dma_start3A_37 = tpu.memref_slice %arg5[%dma_start3A] : memref<128xi32, #tpu.memory_space<vmem>> -> memref<64xi32, #tpu.memory_space<vmem>>
    %dma_start3A_38 = arith.constant 0 : i32
    %dma_start3A_39 = arith.constant 0 : i32
    %dma_start3A_40 = tpu.memref_slice %arg2[%dma_start3A_38, %dma_start3A_39] : memref<100000x768xf32, #tpu.memory_space<hbm>> -> memref<100000x768xf32, #tpu.memory_space<hbm>>
    tpu.enqueue_indirect_dma source(%dma_start3A_40 : memref<100000x768xf32, #tpu.memory_space<hbm>>) target(%arg6 : memref<64x768xf32, #tpu.memory_space<vmem>>) offsets(%dma_start3A_37 : memref<64xi32, #tpu.memory_space<vmem>>) semaphore(%arg8 : memref<!tpu.dma_semaphore, #tpu.memory_space<semaphore_mem>>)
    %dma_wait3A = arith.constant 0 : i32
    %dma_wait3A_41 = tpu.memref_slice %arg5[%dma_wait3A] : memref<128xi32, #tpu.memory_space<vmem>> -> memref<64xi32, #tpu.memory_space<vmem>>
    %dma_wait3A_42 = arith.constant 0 : i32
    %dma_wait3A_43 = arith.constant 0 : i32
    %dma_wait3A_44 = tpu.memref_slice %arg2[%dma_wait3A_42, %dma_wait3A_43] : memref<100000x768xf32, #tpu.memory_space<hbm>> -> memref<100000x768xf32, #tpu.memory_space<hbm>>
    tpu.wait_indirect_dma semaphore(%arg8 : memref<!tpu.dma_semaphore, #tpu.memory_space<semaphore_mem>>) src(%dma_wait3A_44 : memref<100000x768xf32, #tpu.memory_space<hbm>>) dst(%arg6 : memref<64x768xf32, #tpu.memory_space<vmem>>)
    %dma_start3A_45 = arith.constant 64 : i32
    %dma_start3A_46 = tpu.memref_slice %arg5[%dma_start3A_45] : memref<128xi32, #tpu.memory_space<vmem>> -> memref<64xi32, #tpu.memory_space<vmem>>
    %dma_start3A_47 = arith.constant 0 : i32
    %dma_start3A_48 = arith.constant 0 : i32
    %dma_start3A_49 = tpu.memref_slice %arg2[%dma_start3A_47, %dma_start3A_48] : memref<100000x768xf32, #tpu.memory_space<hbm>> -> memref<100000x768xf32, #tpu.memory_space<hbm>>
    tpu.enqueue_indirect_dma source(%dma_start3A_49 : memref<100000x768xf32, #tpu.memory_space<hbm>>) target(%arg7 : memref<64x768xf32, #tpu.memory_space<vmem>>) offsets(%dma_start3A_46 : memref<64xi32, #tpu.memory_space<vmem>>) semaphore(%arg9 : memref<!tpu.dma_semaphore, #tpu.memory_space<semaphore_mem>>)
    %add3A_50 = arith.constant 0 : i32
    %add3A_51 = arith.addi %mul3A_36, %add3A_50 : i32
    "tpu.region"() ({
      %run_scoped3A = tpu.sem_alloc : memref<!tpu.dma_semaphore, #tpu.memory_space<semaphore_mem>>
      %dma_start3A_59 = arith.constant 0 : i32
      %dma_start3A_60 = tpu.memref_slice %arg4[%add3A_51, %dma_start3A_59] : memref<4096x768xf32, #tpu.memory_space<hbm>> -> memref<64x768xf32, #tpu.memory_space<hbm>>
      %dma_start3A_61 = arith.constant 0 : i32
      %dma_start3A_62 = tpu.memref_slice %arg4[%add3A_51, %dma_start3A_61] : memref<4096x768xf32, #tpu.memory_space<hbm>> -> memref<64x768xf32, #tpu.memory_space<hbm>>
      tpu.enqueue_dma source(%arg6 : memref<64x768xf32, #tpu.memory_space<vmem>>) target(%dma_start3A_62 : memref<64x768xf32, #tpu.memory_space<hbm>>) target_semaphore(%run_scoped3A : memref<!tpu.dma_semaphore, #tpu.memory_space<semaphore_mem>>)
      %dma_wait3A_63 = arith.constant 0 : i32
      %dma_wait3A_64 = tpu.memref_slice %arg4[%add3A_51, %dma_wait3A_63] : memref<4096x768xf32, #tpu.memory_space<hbm>> -> memref<64x768xf32, #tpu.memory_space<hbm>>
      %dma_wait3A_65 = arith.constant 0 : i32
      %dma_wait3A_66 = tpu.memref_slice %arg4[%add3A_51, %dma_wait3A_65] : memref<4096x768xf32, #tpu.memory_space<hbm>> -> memref<64x768xf32, #tpu.memory_space<hbm>>
      tpu.wait_dma2 semaphore(%run_scoped3A : memref<!tpu.dma_semaphore, #tpu.memory_space<semaphore_mem>>) src(%arg6 : memref<64x768xf32, #tpu.memory_space<vmem>>) dst(%dma_wait3A_66 : memref<64x768xf32, #tpu.memory_space<hbm>>)
      tpu.yield
    }) : () -> ()
    %dma_wait3A_52 = arith.constant 64 : i32
    %dma_wait3A_53 = tpu.memref_slice %arg5[%dma_wait3A_52] : memref<128xi32, #tpu.memory_space<vmem>> -> memref<64xi32, #tpu.memory_space<vmem>>
    %dma_wait3A_54 = arith.constant 0 : i32
    %dma_wait3A_55 = arith.constant 0 : i32
    %dma_wait3A_56 = tpu.memref_slice %arg2[%dma_wait3A_54, %dma_wait3A_55] : memref<100000x768xf32, #tpu.memory_space<hbm>> -> memref<100000x768xf32, #tpu.memory_space<hbm>>
    tpu.wait_indirect_dma semaphore(%arg9 : memref<!tpu.dma_semaphore, #tpu.memory_space<semaphore_mem>>) src(%dma_wait3A_56 : memref<100000x768xf32, #tpu.memory_space<hbm>>) dst(%arg7 : memref<64x768xf32, #tpu.memory_space<vmem>>)
    %add3A_57 = arith.constant 64 : i32
    %add3A_58 = arith.addi %mul3A_36, %add3A_57 : i32
    "tpu.region"() ({
      %run_scoped3A = tpu.sem_alloc : memref<!tpu.dma_semaphore, #tpu.memory_space<semaphore_mem>>
      %dma_start3A_59 = arith.constant 0 : i32
      %dma_start3A_60 = tpu.memref_slice %arg4[%add3A_58, %dma_start3A_59] : memref<4096x768xf32, #tpu.memory_space<hbm>> -> memref<64x768xf32, #tpu.memory_space<hbm>>
      %dma_start3A_61 = arith.constant 0 : i32
      %dma_start3A_62 = tpu.memref_slice %arg4[%add3A_58, %dma_start3A_61] : memref<4096x768xf32, #tpu.memory_space<hbm>> -> memref<64x768xf32, #tpu.memory_space<hbm>>
      tpu.enqueue_dma source(%arg7 : memref<64x768xf32, #tpu.memory_space<vmem>>) target(%dma_start3A_62 : memref<64x768xf32, #tpu.memory_space<hbm>>) target_semaphore(%run_scoped3A : memref<!tpu.dma_semaphore, #tpu.memory_space<semaphore_mem>>)
      %dma_wait3A_63 = arith.constant 0 : i32
      %dma_wait3A_64 = tpu.memref_slice %arg4[%add3A_58, %dma_wait3A_63] : memref<4096x768xf32, #tpu.memory_space<hbm>> -> memref<64x768xf32, #tpu.memory_space<hbm>>
      %dma_wait3A_65 = arith.constant 0 : i32
      %dma_wait3A_66 = tpu.memref_slice %arg4[%add3A_58, %dma_wait3A_65] : memref<4096x768xf32, #tpu.memory_space<hbm>> -> memref<64x768xf32, #tpu.memory_space<hbm>>
      tpu.wait_dma2 semaphore(%run_scoped3A : memref<!tpu.dma_semaphore, #tpu.memory_space<semaphore_mem>>) src(%arg7 : memref<64x768xf32, #tpu.memory_space<vmem>>) dst(%dma_wait3A_66 : memref<64x768xf32, #tpu.memory_space<hbm>>)
      tpu.yield
    }) : () -> ()
    return
  }
}

#map = affine_map<(d0, d1) -> (0, 0)>
module attributes {stable_mosaic.version = 14 : i64} {
  func.func @gather_kernel(%arg0: i32, %arg1: i32, %arg2: memref<100000x768xf32, #tpu.memory_space<hbm>>, %arg3: memref<4x2048xi32, #tpu.memory_space<hbm>>, %arg4: memref<4096x768xf32, #tpu.memory_space<hbm>>, %arg5: memref<128xi32, #tpu.memory_space<vmem>>, %arg6: memref<64x768xf32, #tpu.memory_space<vmem>>, %arg7: memref<64x768xf32, #tpu.memory_space<vmem>>, %arg8: memref<!tpu.dma_semaphore, #tpu.memory_space<semaphore_mem>>, %arg9: memref<!tpu.dma_semaphore, #tpu.memory_space<semaphore_mem>>) attributes {dimension_semantics = [#tpu.dimension_semantics<core_parallel>, #tpu.dimension_semantics<subcore_parallel>], iteration_bounds = array<i64: 2, 16>, scalar_prefetch = 0 : i64, scratch_operands = 5 : i64, tpu.core_type = #tpu.core_type<sc_vector_subcore>, window_params = [{transform_indices = #map}, {transform_indices = #map}, {transform_indices = #map}]} {
    %mul3A = arith.constant 2 : i32
    %mul3A_0 = arith.muli %arg1, %mul3A : i32
    %add3A = arith.addi %mul3A_0, %arg0 : i32
    %jit3A = arith.constant 8 : i32
    %div3A = arith.divsi %add3A, %jit3A : i32
    %sign3A = arith.constant 0 : i32
    %sign3A_1 = arith.cmpi sgt, %add3A, %sign3A : i32
    %sign3A_2 = arith.extui %sign3A_1 : i1 to i32
    %sign3A_3 = arith.constant 0 : i32
    %sign3A_4 = arith.cmpi slt, %add3A, %sign3A_3 : i32
    %sign3A_5 = arith.extui %sign3A_4 : i1 to i32
    %sign3A_6 = arith.subi %sign3A_2, %sign3A_5 : i32
    %sign3A_7 = arith.constant 0 : i32
    %sign3A_8 = arith.cmpi sgt, %jit3A, %sign3A_7 : i32
    %sign3A_9 = arith.extui %sign3A_8 : i1 to i32
    %sign3A_10 = arith.constant 0 : i32
    %sign3A_11 = arith.cmpi slt, %jit3A, %sign3A_10 : i32
    %sign3A_12 = arith.extui %sign3A_11 : i1 to i32
    %sign3A_13 = arith.subi %sign3A_9, %sign3A_12 : i32
    %ne3A = arith.cmpi ne, %sign3A_6, %sign3A_13 : i32
    %rem3A = arith.remsi %add3A, %jit3A : i32
    %ne3A_14 = arith.constant 0 : i32
    %ne3A_15 = arith.cmpi ne, %rem3A, %ne3A_14 : i32
    %and3A = arith.andi %ne3A, %ne3A_15 : i1
    %sub3A = arith.constant 1 : i32
    %sub3A_16 = arith.subi %div3A, %sub3A : i32
    %select_n3A = arith.select %and3A, %sub3A_16, %div3A : i32
    %jit3A_17 = arith.constant 8 : i32
    %eq3A = arith.constant 0 : i32
    %eq3A_18 = arith.cmpi eq, %jit3A_17, %eq3A : i32
    %jit3A_19 = arith.constant 1 : i32
    %select_n3A_20 = arith.select %eq3A_18, %jit3A_19, %jit3A_17 : i32
    %rem3A_21 = arith.remsi %add3A, %select_n3A_20 : i32
    %ne3A_22 = arith.constant 0 : i32
    %ne3A_23 = arith.cmpi ne, %rem3A_21, %ne3A_22 : i32
    %lt3A = arith.constant 0 : i32
    %lt3A_24 = arith.cmpi slt, %rem3A_21, %lt3A : i32
    %lt3A_25 = arith.constant 0 : i32
    %lt3A_26 = arith.cmpi slt, %select_n3A_20, %lt3A_25 : i32
    %ne3A_27 = arith.xori %lt3A_24, %lt3A_26 : i1
    %and3A_28 = arith.andi %ne3A_27, %ne3A_23 : i1
    %add3A_29 = arith.addi %rem3A_21, %select_n3A_20 : i32
    %select_n3A_30 = arith.select %and3A_28, %add3A_29, %rem3A_21 : i32
    %mul3A_31 = arith.constant 128 : i32
    %mul3A_32 = arith.muli %select_n3A_30, %mul3A_31 : i32
    %add3A_33 = arith.constant 0 : i32
    %add3A_34 = arith.addi %add3A_33, %mul3A_32 : i32
    %mul3A_35 = arith.constant 128 : i32
    %mul3A_36 = arith.muli %add3A, %mul3A_35 : i32
    "tpu.region"() ({
      %run_scoped3A = tpu.sem_alloc : memref<!tpu.dma_semaphore, #tpu.memory_space<semaphore_mem>>
      %dma_start3A_59 = tpu.memref_slice %arg3[%select_n3A, %add3A_34] : memref<4x2048xi32, #tpu.memory_space<hbm>> -> memref<1x128xi32, #tpu.memory_space<hbm>>
      %dma_start3A_60 = tpu.memref_squeeze %dma_start3A_59 : memref<1x128xi32, #tpu.memory_space<hbm>> -> memref<128xi32, #tpu.memory_space<hbm>>
      %dma_start3A_61 = tpu.memref_slice %arg3[%select_n3A, %add3A_34] : memref<4x2048xi32, #tpu.memory_space<hbm>> -> memref<1x128xi32, #tpu.memory_space<hbm>>
      %dma_start3A_62 = tpu.memref_squeeze %dma_start3A_61 : memref<1x128xi32, #tpu.memory_space<hbm>> -> memref<128xi32, #tpu.memory_space<hbm>>
      tpu.enqueue_dma source(%dma_start3A_62 : memref<128xi32, #tpu.memory_space<hbm>>) target(%arg5 : memref<128xi32, #tpu.memory_space<vmem>>) target_semaphore(%run_scoped3A : memref<!tpu.dma_semaphore, #tpu.memory_space<semaphore_mem>>)
      %dma_wait3A_63 = tpu.memref_slice %arg3[%select_n3A, %add3A_34] : memref<4x2048xi32, #tpu.memory_space<hbm>> -> memref<1x128xi32, #tpu.memory_space<hbm>>
      %dma_wait3A_64 = tpu.memref_squeeze %dma_wait3A_63 : memref<1x128xi32, #tpu.memory_space<hbm>> -> memref<128xi32, #tpu.memory_space<hbm>>
      %dma_wait3A_65 = tpu.memref_slice %arg3[%select_n3A, %add3A_34] : memref<4x2048xi32, #tpu.memory_space<hbm>> -> memref<1x128xi32, #tpu.memory_space<hbm>>
      %dma_wait3A_66 = tpu.memref_squeeze %dma_wait3A_65 : memref<1x128xi32, #tpu.memory_space<hbm>> -> memref<128xi32, #tpu.memory_space<hbm>>
      tpu.wait_dma2 semaphore(%run_scoped3A : memref<!tpu.dma_semaphore, #tpu.memory_space<semaphore_mem>>) src(%dma_wait3A_66 : memref<128xi32, #tpu.memory_space<hbm>>) dst(%arg5 : memref<128xi32, #tpu.memory_space<vmem>>)
      tpu.yield
    }) : () -> ()
    %dma_start3A = arith.constant 0 : i32
    %dma_start3A_37 = tpu.memref_slice %arg5[%dma_start3A] : memref<128xi32, #tpu.memory_space<vmem>> -> memref<64xi32, #tpu.memory_space<vmem>>
    %dma_start3A_38 = arith.constant 0 : i32
    %dma_start3A_39 = arith.constant 0 : i32
    %dma_start3A_40 = tpu.memref_slice %arg2[%dma_start3A_38, %dma_start3A_39] : memref<100000x768xf32, #tpu.memory_space<hbm>> -> memref<100000x768xf32, #tpu.memory_space<hbm>>
    tpu.enqueue_indirect_dma source(%dma_start3A_40 : memref<100000x768xf32, #tpu.memory_space<hbm>>) target(%arg6 : memref<64x768xf32, #tpu.memory_space<vmem>>) offsets(%dma_start3A_37 : memref<64xi32, #tpu.memory_space<vmem>>) semaphore(%arg8 : memref<!tpu.dma_semaphore, #tpu.memory_space<semaphore_mem>>)
    %dma_wait3A = arith.constant 0 : i32
    %dma_wait3A_41 = tpu.memref_slice %arg5[%dma_wait3A] : memref<128xi32, #tpu.memory_space<vmem>> -> memref<64xi32, #tpu.memory_space<vmem>>
    %dma_wait3A_42 = arith.constant 0 : i32
    %dma_wait3A_43 = arith.constant 0 : i32
    %dma_wait3A_44 = tpu.memref_slice %arg2[%dma_wait3A_42, %dma_wait3A_43] : memref<100000x768xf32, #tpu.memory_space<hbm>> -> memref<100000x768xf32, #tpu.memory_space<hbm>>
    tpu.wait_indirect_dma semaphore(%arg8 : memref<!tpu.dma_semaphore, #tpu.memory_space<semaphore_mem>>) src(%dma_wait3A_44 : memref<100000x768xf32, #tpu.memory_space<hbm>>) dst(%arg6 : memref<64x768xf32, #tpu.memory_space<vmem>>)
    %dma_start3A_45 = arith.constant 64 : i32
    %dma_start3A_46 = tpu.memref_slice %arg5[%dma_start3A_45] : memref<128xi32, #tpu.memory_space<vmem>> -> memref<64xi32, #tpu.memory_space<vmem>>
    %dma_start3A_47 = arith.constant 0 : i32
    %dma_start3A_48 = arith.constant 0 : i32
    %dma_start3A_49 = tpu.memref_slice %arg2[%dma_start3A_47, %dma_start3A_48] : memref<100000x768xf32, #tpu.memory_space<hbm>> -> memref<100000x768xf32, #tpu.memory_space<hbm>>
    tpu.enqueue_indirect_dma source(%dma_start3A_49 : memref<100000x768xf32, #tpu.memory_space<hbm>>) target(%arg7 : memref<64x768xf32, #tpu.memory_space<vmem>>) offsets(%dma_start3A_46 : memref<64xi32, #tpu.memory_space<vmem>>) semaphore(%arg9 : memref<!tpu.dma_semaphore, #tpu.memory_space<semaphore_mem>>)
    %add3A_50 = arith.constant 0 : i32
    %add3A_51 = arith.addi %mul3A_36, %add3A_50 : i32
    "tpu.region"() ({
      %run_scoped3A = tpu.sem_alloc : memref<!tpu.dma_semaphore, #tpu.memory_space<semaphore_mem>>
      %dma_start3A_59 = arith.constant 0 : i32
      %dma_start3A_60 = tpu.memref_slice %arg4[%add3A_51, %dma_start3A_59] : memref<4096x768xf32, #tpu.memory_space<hbm>> -> memref<64x768xf32, #tpu.memory_space<hbm>>
      %dma_start3A_61 = arith.constant 0 : i32
      %dma_start3A_62 = tpu.memref_slice %arg4[%add3A_51, %dma_start3A_61] : memref<4096x768xf32, #tpu.memory_space<hbm>> -> memref<64x768xf32, #tpu.memory_space<hbm>>
      tpu.enqueue_dma source(%arg6 : memref<64x768xf32, #tpu.memory_space<vmem>>) target(%dma_start3A_62 : memref<64x768xf32, #tpu.memory_space<hbm>>) target_semaphore(%run_scoped3A : memref<!tpu.dma_semaphore, #tpu.memory_space<semaphore_mem>>)
      %dma_wait3A_63 = arith.constant 0 : i32
      %dma_wait3A_64 = tpu.memref_slice %arg4[%add3A_51, %dma_wait3A_63] : memref<4096x768xf32, #tpu.memory_space<hbm>> -> memref<64x768xf32, #tpu.memory_space<hbm>>
      %dma_wait3A_65 = arith.constant 0 : i32
      %dma_wait3A_66 = tpu.memref_slice %arg4[%add3A_51, %dma_wait3A_65] : memref<4096x768xf32, #tpu.memory_space<hbm>> -> memref<64x768xf32, #tpu.memory_space<hbm>>
      tpu.wait_dma2 semaphore(%run_scoped3A : memref<!tpu.dma_semaphore, #tpu.memory_space<semaphore_mem>>) src(%arg6 : memref<64x768xf32, #tpu.memory_space<vmem>>) dst(%dma_wait3A_66 : memref<64x768xf32, #tpu.memory_space<hbm>>)
      tpu.yield
    }) : () -> ()
    %dma_wait3A_52 = arith.constant 64 : i32
    %dma_wait3A_53 = tpu.memref_slice %arg5[%dma_wait3A_52] : memref<128xi32, #tpu.memory_space<vmem>> -> memref<64xi32, #tpu.memory_space<vmem>>
    %dma_wait3A_54 = arith.constant 0 : i32
    %dma_wait3A_55 = arith.constant 0 : i32
    %dma_wait3A_56 = tpu.memref_slice %arg2[%dma_wait3A_54, %dma_wait3A_55] : memref<100000x768xf32, #tpu.memory_space<hbm>> -> memref<100000x768xf32, #tpu.memory_space<hbm>>
    tpu.wait_indirect_dma semaphore(%arg9 : memref<!tpu.dma_semaphore, #tpu.memory_space<semaphore_mem>>) src(%dma_wait3A_56 : memref<100000x768xf32, #tpu.memory_space<hbm>>) dst(%arg7 : memref<64x768xf32, #tpu.memory_space<vmem>>)
    %add3A_57 = arith.constant 64 : i32
    %add3A_58 = arith.addi %mul3A_36, %add3A_57 : i32
    "tpu.region"() ({
      %run_scoped3A = tpu.sem_alloc : memref<!tpu.dma_semaphore, #tpu.memory_space<semaphore_mem>>
      %dma_start3A_59 = arith.constant 0 : i32
      %dma_start3A_60 = tpu.memref_slice %arg4[%add3A_58, %dma_start3A_59] : memref<4096x768xf32, #tpu.memory_space<hbm>> -> memref<64x768xf32, #tpu.memory_space<hbm>>
      %dma_start3A_61 = arith.constant 0 : i32
      %dma_start3A_62 = tpu.memref_slice %arg4[%add3A_58, %dma_start3A_61] : memref<4096x768xf32, #tpu.memory_space<hbm>> -> memref<64x768xf32, #tpu.memory_space<hbm>>
      tpu.enqueue_dma source(%arg7 : memref<64x768xf32, #tpu.memory_space<vmem>>) target(%dma_start3A_62 : memref<64x768xf32, #tpu.memory_space<hbm>>) target_semaphore(%run_scoped3A : memref<!tpu.dma_semaphore, #tpu.memory_space<semaphore_mem>>)
      %dma_wait3A_63 = arith.constant 0 : i32
      %dma_wait3A_64 = tpu.memref_slice %arg4[%add3A_58, %dma_wait3A_63] : memref<4096x768xf32, #tpu.memory_space<hbm>> -> memref<64x768xf32, #tpu.memory_space<hbm>>
      %dma_wait3A_65 = arith.constant 0 : i32
      %dma_wait3A_66 = tpu.memref_slice %arg4[%add3A_58, %dma_wait3A_65] : memref<4096x768xf32, #tpu.memory_space<hbm>> -> memref<64x768xf32, #tpu.memory_space<hbm>>
      tpu.wait_dma2 semaphore(%run_scoped3A : memref<!tpu.dma_semaphore, #tpu.memory_space<semaphore_mem>>) src(%arg7 : memref<64x768xf32, #tpu.memory_space<vmem>>) dst(%dma_wait3A_66 : memref<64x768xf32, #tpu.memory_space<hbm>>)
      tpu.yield
    }) : () -> ()
    return
  }
}

module attributes {stable_mosaic.version = 14 : i64} {
  func.func @body(%arg0: i32, %arg1: memref<1024x768xf32, #tpu.memory_space<vmem>>, %arg2: memref<1x1x1024xi32, #tpu.memory_space<vmem>>, %arg3: memref<2x768xf32, #tpu.memory_space<vmem>>, %arg4: memref<1024x768xf32, #tpu.memory_space<vmem>>, %arg5: memref<1x768xf32, #tpu.memory_space<vmem>>, %arg6: memref<1x768xf32, #tpu.memory_space<vmem>>, %arg7: memref<1024x768xf32, #tpu.memory_space<vmem>>) attributes {dimension_semantics = [#tpu.dimension_semantics<arbitrary>], iteration_bounds = array<i64: 4>, scalar_prefetch = 0 : i64, scratch_operands = 0 : i64, tpu.core_type = #tpu.core_type<tc>, window_params = [{transform_indices = @transform_0, window_bounds = array<i64: 1024, 768>}, {transform_indices = @transform_1, window_bounds = array<i64: 1, 1, 1024>}, {pipeline_mode = #tpu.pipeline_mode<synchronous>, transform_indices = @transform_2, window_bounds = array<i64: 2, 768>}, {transform_indices = @transform_3, window_bounds = array<i64: 1024, 768>}, {pipeline_mode = #tpu.pipeline_mode<synchronous>, transform_indices = @transform_4, window_bounds = array<i64: 1, 768>}, {pipeline_mode = #tpu.pipeline_mode<synchronous>, transform_indices = @transform_5, window_bounds = array<i64: 1, 768>}, {transform_indices = @transform_6, window_bounds = array<i64: 1024, 768>}]} {
    %get3A = arith.constant 0 : index
    %get3A_0 = arith.constant 0 : index
    %get3A_1 = vector.load %arg1[%get3A, %get3A_0] : memref<1024x768xf32, #tpu.memory_space<vmem>>, vector<1024x768xf32>
    %get3A_2 = arith.constant 0 : index
    %get3A_3 = arith.constant 0 : index
    %get3A_4 = vector.load %arg3[%get3A_2, %get3A_3] : memref<2x768xf32, #tpu.memory_space<vmem>>, vector<1x768xf32>
    %get3A_5 = arith.constant 1 : index
    %get3A_6 = arith.constant 0 : index
    %get3A_7 = vector.load %arg3[%get3A_5, %get3A_6] : memref<2x768xf32, #tpu.memory_space<vmem>>, vector<1x768xf32>
    %sub3A = arith.subf %get3A_7, %get3A_4 : vector<1x768xf32>
    %get3A_8 = arith.constant 0 : index
    %get3A_9 = arith.constant 0 : index
    %get3A_10 = arith.constant 0 : index
    %get3A_11 = vector.load %arg2[%get3A_8, %get3A_9, %get3A_10] : memref<1x1x1024xi32, #tpu.memory_space<vmem>>, vector<1x1x1024xi32>
    %get3A_12 = vector.shape_cast %get3A_11 : vector<1x1x1024xi32> to vector<1024xi32>
    %convert_element_type3A = arith.sitofp %get3A_12 : vector<1024xi32> to vector<1024xf32>
    %reshape3A = vector.shape_cast %convert_element_type3A : vector<1024xf32> to vector<1024x1xf32>
    %get3A_13 = arith.constant 0 : index
    %get3A_14 = arith.constant 0 : index
    %get3A_15 = vector.load %arg4[%get3A_13, %get3A_14] : memref<1024x768xf32, #tpu.memory_space<vmem>>, vector<1024x768xf32>
    %add3A = arith.addf %get3A_1, %get3A_15 : vector<1024x768xf32>
    %add3A_16 = vector.broadcast %get3A_4 : vector<1x768xf32> to vector<1024x768xf32>
    %add3A_17 = arith.addf %add3A, %add3A_16 : vector<1024x768xf32>
    %mul3A = vector.broadcast %reshape3A : vector<1024x1xf32> to vector<1024x768xf32>
    %mul3A_18 = vector.broadcast %sub3A : vector<1x768xf32> to vector<1024x768xf32>
    %mul3A_19 = arith.mulf %mul3A, %mul3A_18 : vector<1024x768xf32>
    %add3A_20 = arith.addf %add3A_17, %mul3A_19 : vector<1024x768xf32>
    %reduce_sum3A = arith.constant dense<0.000000e+00> : vector<1024xf32>
    %reduce_sum3A_21 = vector.multi_reduction <add>, %add3A_20, %reduce_sum3A [1] : vector<1024x768xf32> to vector<1024xf32>
    %broadcast_in_dim3A = vector.shape_cast %reduce_sum3A_21 : vector<1024xf32> to vector<1024x1xf32>
    %div3A = arith.constant 7.680000e+02 : f32
    %div3A_22 = vector.broadcast %div3A : f32 to vector<1024x1xf32>
    %div3A_23 = arith.divf %broadcast_in_dim3A, %div3A_22 : vector<1024x1xf32>
    %sub3A_24 = vector.broadcast %div3A_23 : vector<1024x1xf32> to vector<1024x768xf32>
    %sub3A_25 = arith.subf %add3A_20, %sub3A_24 : vector<1024x768xf32>
    %mul3A_26 = arith.mulf %sub3A_25, %sub3A_25 : vector<1024x768xf32>
    %reduce_sum3A_27 = arith.constant dense<0.000000e+00> : vector<1024xf32>
    %reduce_sum3A_28 = vector.multi_reduction <add>, %mul3A_26, %reduce_sum3A_27 [1] : vector<1024x768xf32> to vector<1024xf32>
    %broadcast_in_dim3A_29 = vector.shape_cast %reduce_sum3A_28 : vector<1024xf32> to vector<1024x1xf32>
    %div3A_30 = arith.constant 7.680000e+02 : f32
    %div3A_31 = vector.broadcast %div3A_30 : f32 to vector<1024x1xf32>
    %div3A_32 = arith.divf %broadcast_in_dim3A_29, %div3A_31 : vector<1024x1xf32>
    %add3A_33 = arith.constant 1.000000e-03 : f32
    %add3A_34 = vector.broadcast %add3A_33 : f32 to vector<1024x1xf32>
    %add3A_35 = arith.addf %div3A_32, %add3A_34 : vector<1024x1xf32>
    %rsqrt3A = math.rsqrt %add3A_35 : vector<1024x1xf32>
    %mul3A_36 = vector.broadcast %rsqrt3A : vector<1024x1xf32> to vector<1024x768xf32>
    %mul3A_37 = arith.mulf %sub3A_25, %mul3A_36 : vector<1024x768xf32>
    %get3A_38 = arith.constant 0 : index
    %get3A_39 = arith.constant 0 : index
    %get3A_40 = vector.load %arg5[%get3A_38, %get3A_39] : memref<1x768xf32, #tpu.memory_space<vmem>>, vector<1x768xf32>
    %mul3A_41 = vector.broadcast %get3A_40 : vector<1x768xf32> to vector<1024x768xf32>
    %mul3A_42 = arith.mulf %mul3A_37, %mul3A_41 : vector<1024x768xf32>
    %get3A_43 = arith.constant 0 : index
    %get3A_44 = arith.constant 0 : index
    %get3A_45 = vector.load %arg6[%get3A_43, %get3A_44] : memref<1x768xf32, #tpu.memory_space<vmem>>, vector<1x768xf32>
    %add3A_46 = vector.broadcast %get3A_45 : vector<1x768xf32> to vector<1024x768xf32>
    %add3A_47 = arith.addf %mul3A_42, %add3A_46 : vector<1024x768xf32>
    %swap3A = arith.constant 0 : index
    %swap3A_48 = arith.constant 0 : index
    %swap3A_49 = vector.load %arg7[%swap3A, %swap3A_48] : memref<1024x768xf32, #tpu.memory_space<vmem>>, vector<1024x768xf32>
    tpu.vector_store %arg7[%swap3A, %swap3A_48], %add3A_47 {strides = array<i32>} : memref<1024x768xf32, #tpu.memory_space<vmem>>, vector<1024x768xf32>,
    return
  }
  func.func @transform_0(%arg0: i32) -> (i32, i32) {
    %c0_i32 = arith.constant 0 : i32
    %c0_i32_0 = arith.constant 0 : i32
    return %arg0, %c0_i32 : i32, i32
  }
  func.func @transform_1(%arg0: i32) -> (i32, i32, i32) {
    %mul3A = arith.constant 2 : i32
    %mul3A_0 = arith.muli %arg0, %mul3A : i32
    %add3A = arith.constant 0 : i32
    %add3A_1 = arith.addi %mul3A_0, %add3A : i32
    %c0_i32 = arith.constant 0 : i32
    %c0_i32_2 = arith.constant 0 : i32
    %c0_i32_3 = arith.constant 0 : i32
    return %add3A_1, %c0_i32, %c0_i32_2 : i32, i32, i32
  }
  func.func @transform_2(%arg0: i32) -> (i32, i32) {
    %c0_i32 = arith.constant 0 : i32
    %c0_i32_0 = arith.constant 0 : i32
    %c0_i32_1 = arith.constant 0 : i32
    return %c0_i32, %c0_i32_0 : i32, i32
  }
  func.func @transform_3(%arg0: i32) -> (i32, i32) {
    %c0_i32 = arith.constant 0 : i32
    %c0_i32_0 = arith.constant 0 : i32
    %c0_i32_1 = arith.constant 0 : i32
    return %c0_i32, %c0_i32_0 : i32, i32
  }
  func.func @transform_4(%arg0: i32) -> (i32, i32) {
    %c0_i32 = arith.constant 0 : i32
    %c0_i32_0 = arith.constant 0 : i32
    %c0_i32_1 = arith.constant 0 : i32
    return %c0_i32, %c0_i32_0 : i32, i32
  }
  func.func @transform_5(%arg0: i32) -> (i32, i32) {
    %c0_i32 = arith.constant 0 : i32
    %c0_i32_0 = arith.constant 0 : i32
    %c0_i32_1 = arith.constant 0 : i32
    return %c0_i32, %c0_i32_0 : i32, i32
  }
  func.func @transform_6(%arg0: i32) -> (i32, i32) {
    %mul3A = arith.constant 2 : i32
    %mul3A_0 = arith.muli %arg0, %mul3A : i32
    %add3A = arith.constant 0 : i32
    %add3A_1 = arith.addi %mul3A_0, %add3A : i32
    %c0_i32 = arith.constant 0 : i32
    %c0_i32_2 = arith.constant 0 : i32
    return %add3A_1, %c0_i32 : i32, i32
  }
}

module attributes {stable_mosaic.version = 14 : i64} {
  func.func @body(%arg0: i32, %arg1: memref<1024x768xf32, #tpu.memory_space<vmem>>, %arg2: memref<1x1x1024xi32, #tpu.memory_space<vmem>>, %arg3: memref<2x768xf32, #tpu.memory_space<vmem>>, %arg4: memref<1024x768xf32, #tpu.memory_space<vmem>>, %arg5: memref<1x768xf32, #tpu.memory_space<vmem>>, %arg6: memref<1x768xf32, #tpu.memory_space<vmem>>, %arg7: memref<8x128xf32, #tpu.memory_space<vmem>>, %arg8: memref<1024x768xf32, #tpu.memory_space<vmem>>) attributes {dimension_semantics = [#tpu.dimension_semantics<arbitrary>], iteration_bounds = array<i64: 4>, scalar_prefetch = 0 : i64, scratch_operands = 0 : i64, tpu.core_type = #tpu.core_type<tc>, window_params = [{transform_indices = @transform_0, window_bounds = array<i64: 1024, 768>}, {transform_indices = @transform_1, window_bounds = array<i64: 1, 1, 1024>}, {pipeline_mode = #tpu.pipeline_mode<synchronous>, transform_indices = @transform_2, window_bounds = array<i64: 2, 768>}, {transform_indices = @transform_3, window_bounds = array<i64: 1024, 768>}, {pipeline_mode = #tpu.pipeline_mode<synchronous>, transform_indices = @transform_4, window_bounds = array<i64: 1, 768>}, {pipeline_mode = #tpu.pipeline_mode<synchronous>, transform_indices = @transform_5, window_bounds = array<i64: 1, 768>}, {transform_indices = @transform_6, window_bounds = array<i64: 8, 128>}, {transform_indices = @transform_7, window_bounds = array<i64: 1024, 768>}]} {
    %get3A = arith.constant 0 : index
    %get3A_0 = arith.constant 0 : index
    %get3A_1 = vector.load %arg1[%get3A, %get3A_0] : memref<1024x768xf32, #tpu.memory_space<vmem>>, vector<1024x768xf32>
    %get3A_2 = arith.constant 0 : index
    %get3A_3 = arith.constant 0 : index
    %get3A_4 = vector.load %arg3[%get3A_2, %get3A_3] : memref<2x768xf32, #tpu.memory_space<vmem>>, vector<1x768xf32>
    %get3A_5 = arith.constant 1 : index
    %get3A_6 = arith.constant 0 : index
    %get3A_7 = vector.load %arg3[%get3A_5, %get3A_6] : memref<2x768xf32, #tpu.memory_space<vmem>>, vector<1x768xf32>
    %sub3A = arith.subf %get3A_7, %get3A_4 : vector<1x768xf32>
    %get3A_8 = arith.constant 0 : index
    %get3A_9 = arith.constant 0 : index
    %get3A_10 = arith.constant 0 : index
    %get3A_11 = vector.load %arg2[%get3A_8, %get3A_9, %get3A_10] : memref<1x1x1024xi32, #tpu.memory_space<vmem>>, vector<1x1x1024xi32>
    %get3A_12 = vector.shape_cast %get3A_11 : vector<1x1x1024xi32> to vector<1024xi32>
    %convert_element_type3A = arith.sitofp %get3A_12 : vector<1024xi32> to vector<1024xf32>
    %reshape3A = vector.shape_cast %convert_element_type3A : vector<1024xf32> to vector<1024x1xf32>
    %get3A_13 = arith.constant 0 : index
    %get3A_14 = arith.constant 0 : index
    %get3A_15 = vector.load %arg4[%get3A_13, %get3A_14] : memref<1024x768xf32, #tpu.memory_space<vmem>>, vector<1024x768xf32>
    %add3A = arith.addf %get3A_1, %get3A_15 : vector<1024x768xf32>
    %add3A_16 = vector.broadcast %get3A_4 : vector<1x768xf32> to vector<1024x768xf32>
    %add3A_17 = arith.addf %add3A, %add3A_16 : vector<1024x768xf32>
    %mul3A = vector.broadcast %reshape3A : vector<1024x1xf32> to vector<1024x768xf32>
    %mul3A_18 = vector.broadcast %sub3A : vector<1x768xf32> to vector<1024x768xf32>
    %mul3A_19 = arith.mulf %mul3A, %mul3A_18 : vector<1024x768xf32>
    %add3A_20 = arith.addf %add3A_17, %mul3A_19 : vector<1024x768xf32>
    %reduce_sum3A = arith.constant dense<0.000000e+00> : vector<1024xf32>
    %reduce_sum3A_21 = vector.multi_reduction <add>, %add3A_20, %reduce_sum3A [1] : vector<1024x768xf32> to vector<1024xf32>
    %broadcast_in_dim3A = vector.shape_cast %reduce_sum3A_21 : vector<1024xf32> to vector<1024x1xf32>
    %div3A = arith.constant 7.680000e+02 : f32
    %div3A_22 = vector.broadcast %div3A : f32 to vector<1024x1xf32>
    %div3A_23 = arith.divf %broadcast_in_dim3A, %div3A_22 : vector<1024x1xf32>
    %sub3A_24 = vector.broadcast %div3A_23 : vector<1024x1xf32> to vector<1024x768xf32>
    %sub3A_25 = arith.subf %add3A_20, %sub3A_24 : vector<1024x768xf32>
    %mul3A_26 = arith.mulf %sub3A_25, %sub3A_25 : vector<1024x768xf32>
    %reduce_sum3A_27 = arith.constant dense<0.000000e+00> : vector<1024xf32>
    %reduce_sum3A_28 = vector.multi_reduction <add>, %mul3A_26, %reduce_sum3A_27 [1] : vector<1024x768xf32> to vector<1024xf32>
    %broadcast_in_dim3A_29 = vector.shape_cast %reduce_sum3A_28 : vector<1024xf32> to vector<1024x1xf32>
    %div3A_30 = arith.constant 7.680000e+02 : f32
    %div3A_31 = vector.broadcast %div3A_30 : f32 to vector<1024x1xf32>
    %div3A_32 = arith.divf %broadcast_in_dim3A_29, %div3A_31 : vector<1024x1xf32>
    %add3A_33 = arith.constant 1.000000e-03 : f32
    %add3A_34 = vector.broadcast %add3A_33 : f32 to vector<1024x1xf32>
    %add3A_35 = arith.addf %div3A_32, %add3A_34 : vector<1024x1xf32>
    %rsqrt3A = math.rsqrt %add3A_35 : vector<1024x1xf32>
    %mul3A_36 = vector.broadcast %rsqrt3A : vector<1024x1xf32> to vector<1024x768xf32>
    %mul3A_37 = arith.mulf %sub3A_25, %mul3A_36 : vector<1024x768xf32>
    %get3A_38 = arith.constant 0 : index
    %get3A_39 = arith.constant 0 : index
    %get3A_40 = vector.load %arg5[%get3A_38, %get3A_39] : memref<1x768xf32, #tpu.memory_space<vmem>>, vector<1x768xf32>
    %mul3A_41 = vector.broadcast %get3A_40 : vector<1x768xf32> to vector<1024x768xf32>
    %mul3A_42 = arith.mulf %mul3A_37, %mul3A_41 : vector<1024x768xf32>
    %get3A_43 = arith.constant 0 : index
    %get3A_44 = arith.constant 0 : index
    %get3A_45 = vector.load %arg6[%get3A_43, %get3A_44] : memref<1x768xf32, #tpu.memory_space<vmem>>, vector<1x768xf32>
    %add3A_46 = vector.broadcast %get3A_45 : vector<1x768xf32> to vector<1024x768xf32>
    %add3A_47 = arith.addf %mul3A_42, %add3A_46 : vector<1024x768xf32>
    %swap3A = arith.constant 0 : index
    %swap3A_48 = arith.constant 0 : index
    %swap3A_49 = vector.load %arg8[%swap3A, %swap3A_48] : memref<1024x768xf32, #tpu.memory_space<vmem>>, vector<1024x768xf32>
    tpu.vector_store %arg8[%swap3A, %swap3A_48], %add3A_47 {strides = array<i32>} : memref<1024x768xf32, #tpu.memory_space<vmem>>, vector<1024x768xf32>,
    return
  }
  func.func @transform_0(%arg0: i32) -> (i32, i32) {
    %c0_i32 = arith.constant 0 : i32
    %c0_i32_0 = arith.constant 0 : i32
    return %arg0, %c0_i32 : i32, i32
  }
  func.func @transform_1(%arg0: i32) -> (i32, i32, i32) {
    %mul3A = arith.constant 2 : i32
    %mul3A_0 = arith.muli %arg0, %mul3A : i32
    %add3A = arith.constant 1 : i32
    %add3A_1 = arith.addi %mul3A_0, %add3A : i32
    %c0_i32 = arith.constant 0 : i32
    %c0_i32_2 = arith.constant 0 : i32
    %c0_i32_3 = arith.constant 0 : i32
    return %add3A_1, %c0_i32, %c0_i32_2 : i32, i32, i32
  }
  func.func @transform_2(%arg0: i32) -> (i32, i32) {
    %c0_i32 = arith.constant 0 : i32
    %c0_i32_0 = arith.constant 0 : i32
    %c0_i32_1 = arith.constant 0 : i32
    return %c0_i32, %c0_i32_0 : i32, i32
  }
  func.func @transform_3(%arg0: i32) -> (i32, i32) {
    %c1_i32 = arith.constant 1 : i32
    %c0_i32 = arith.constant 0 : i32
    %c0_i32_0 = arith.constant 0 : i32
    return %c1_i32, %c0_i32 : i32, i32
  }
  func.func @transform_4(%arg0: i32) -> (i32, i32) {
    %c0_i32 = arith.constant 0 : i32
    %c0_i32_0 = arith.constant 0 : i32
    %c0_i32_1 = arith.constant 0 : i32
    return %c0_i32, %c0_i32_0 : i32, i32
  }
  func.func @transform_5(%arg0: i32) -> (i32, i32) {
    %c0_i32 = arith.constant 0 : i32
    %c0_i32_0 = arith.constant 0 : i32
    %c0_i32_1 = arith.constant 0 : i32
    return %c0_i32, %c0_i32_0 : i32, i32
  }
  func.func @transform_6(%arg0: i32) -> (i32, i32) {
    %c0_i32 = arith.constant 0 : i32
    %c0_i32_0 = arith.constant 0 : i32
    %c0_i32_1 = arith.constant 0 : i32
    return %c0_i32, %c0_i32_0 : i32, i32
  }
  func.func @transform_7(%arg0: i32) -> (i32, i32) {
    %mul3A = arith.constant 2 : i32
    %mul3A_0 = arith.muli %arg0, %mul3A : i32
    %add3A = arith.constant 1 : i32
    %add3A_1 = arith.addi %mul3A_0, %add3A : i32
    %c0_i32 = arith.constant 0 : i32
    %c0_i32_2 = arith.constant 0 : i32
    return %add3A_1, %c0_i32 : i32, i32
  }
}

</mosaic_0001>

<sc_bundles>
// kernel: kernel.6.cloned.1.call-start
scs
__scs_entry_jumppad:
0x0: {  	(pc) =	sbr.rel $0x88, $3  }
0x1: {  	(tag) =	ssettag $0x0;
	lr =	simm.s32 $0x1  }
0x2: {  	[smem:$0x3F9A] =	sst lr;
	_ =	strace $0xD0000000  }
0x3: {  	_ = 	snop  }
0x4: {  	_ = 	snop  }
0x5: {  	_ = 	snop  }
0x6: {  	_ = 	snop  }
0x7: {  	_ = 	snop  }
__scs_overlays_trampoline_lowered:
0x8: {  	[smem:$0x3FA9] =	sst s0  }
0x9: {  	[smem:$0x3FAA] =	sst s1  }
0xa: {  	[smem:$0x3FAB] =	sst s2  }
0xb: {  	[smem:$0x3FAC] =	sst s3  }
0xc: {  	[smem:$0x3FAD] =	sst s4  }
0xd: {  	[smem:$0x3FAE] =	sst s5  }
0xe: {  	[smem:$0x3FAF] =	sst s6  }
0xf: {  	[smem:$0x3FB0] =	sst s7  }
0x10: {  	[smem:$0x3FB1] =	sst s8  }
0x11: {  	[smem:$0x3FB2] =	sst s9;
	s0 =	simm.s32 @!p0 $0x0  }
0x12: {  	s1 =	sld [smem:$0x3F98];
	s0 =	simm.s32 @p0 $0x1  }
0x13: {  	[smem:$0x3FB3] =	sst s0;
	s0 =	simm.s32 @!p1 $0x0  }
0x14: {  	s2 =	sld [smem:$0x3F97];
	s0 =	simm.s32 @p1 $0x1  }
0x15: {  	[smem:$0x3FB4] =	sst s0;
	s0 =	simm.s32 @!p2 $0x0  }
0x16: {  	s3 =	sld [smem:$0x3FDB];
	s0 =	simm.s32 @p2 $0x1  }
0x17: {  	s4 =	simm.s32 $0x1BF5;
	[smem:$0x3FB6] =	sst s0  }
0x18: {  	s0 =	sld [smem:$0x3F99];
	_ =	swait.ge [sflag:s4], $0x0  }
0x19: {  	s7 =	sld [smem:$0x3F9A]  }
0x1a: {  	s8 =	sadd.s32 $0xFFFFE003, lr  }
0x1b: {  	s9 =	sadd.s32 $0xFFFFFEF7, lr;
	s5 =	simm.s32 $0xFFFFFFFF;
	p2 =	slt.u32 s8, $0xFFFFF086  }
0x1c: {  	p1 =	slt.u32 s9, $0xF7A;
	s5 =	simm.s32 @!p2 $0x0  }
0x1d: {  	s5 =	simm.s32 @p1 $0x1;
	p0 =	seq.s32 s7, s2  }
0x1e: {  	s7 =	smul.u32 @!p0 $0xF7A, s2;
	p2 =	seq.s32 @!p0 s5, $0x0  }
0x1f: {  	s9 =	smul.u32 $0xF7A, s1;
	s8 =	simm.s32 @!p0 $0x1BF5;
	p2 =	por !p2, p0  }
0x20: {  	[sflag:s8] =	ssyncset.s32 @!p0 $0xFFFFF086;
	s6 =	sadd.s32 @!p0 s3, s7;
	s7 =	simm.s32 @!p0 $0x108  }
0x21: {  	s3 =	sadd.s32 s3, s9;
	s6 =	sadd.s32 @!p0 $0x88, s6;
	s7 =	simm.s32 @p2 $0x1082  }
0x22: {  	[simem:s7], [sflag:s8] =	dma.local @!p0 [hbm:s6], $0xF7A  }
0x23: {  	s9 =	sor.u32 $0xD0000000, s2;
	s6 =	simm.s32 $0x108;
	_ =	swait.ge @!p0 [sflag:s8], $0x0  }
0x24: {  	s3 =	sadd.s32 $0x88, s3;
	s6 =	simm.s32 @!p1 $0x1082;
	[sflag:s4] =	ssyncset.s32 $0xFFFFF086  }
0x25: {  	[simem:s6], [sflag:s4] =	dma.local [hbm:s3], $0xF7A  }
0x26: {  	[smem:$0x3F9A] =	sst s1;
	(tag) =	ssettag s2;
	_ =	strace s9  }
0x27: {  	s1 =	sld [smem:$0x3FAA]  }
0x28: {  	s2 =	sld [smem:$0x3FAB]  }
0x29: {  	s4 =	sld [smem:$0x3FAD]  }
0x2a: {  	p0 =	seq.s32 s5, $0x0;
	s5 =	sld [smem:$0x3FAE]  }
0x2b: {  	s6 =	sld [smem:$0x3FAF]  }
0x2c: {  	s7 =	sld [smem:$0x3FB0]  }
0x2d: {  	s3 =	simm.s32 $0x108;
	s8 =	sld [smem:$0x3FB1]  }
0x2e: {  	s3 =	simm.s32 @!p0 $0x1082;
	s9 =	sld [smem:$0x3FB2]  }
0x2f: {  	lr =	sadd.s32 s0, s3;
	s0 =	sld [smem:$0x3FA9]  }
0x30: {  	s3 =	sld [smem:$0x3FAC]  }
0x31: {  	[smem:$0x3FB5] =	sst s10  }
0x32: {  	s10 =	sld [smem:$0x3FB3];
	_ =	sdelay $0x3  }
0x33: {  	p0 =	seq.s32 s10, $0x1;
	s10 =	sld [smem:$0x3FB5];
	_ =	sdelay $0x3  }
0x34: {  	[smem:$0x3FB5] =	sst s10  }
0x35: {  	s10 =	sld [smem:$0x3FB4];
	_ =	sdelay $0x3  }
0x36: {  	p1 =	seq.s32 s10, $0x1;
	s10 =	sld [smem:$0x3FB5];
	_ =	sdelay $0x3  }
0x37: {  	[smem:$0x3FB5] =	sst s10  }
0x38: {  	s10 =	sld [smem:$0x3FB6]  }
0x39: {  	_ = 	snop;
	(pc) =	sbr.ind lr, $3  }
0x3a: {  	_ = 	snop  }
0x3b: {  	_ = 	snop  }
0x3c: {  	p2 =	seq.s32 s10, $0x1;
	s10 =	sld [smem:$0x3FB5]  }
0x3d: {  	_ =	shalt  }
0x3e: {  	_ =	shalt  }
0x3f: {  	_ =	shalt  }
0x40: {  	_ =	shalt  }
0x41: {  	_ =	shalt  }
0x42: {  	_ =	shalt  }
0x43: {  	_ =	shalt  }
0x44: {  	_ =	shalt  }
0x45: {  	_ =	shalt  }
0x46: {  	_ =	shalt  }
0x47: {  	_ =	shalt  }
0x48: {  	_ =	shalt  }
0x49: {  	_ =	shalt  }
0x4a: {  	_ =	shalt  }
0x4b: {  	_ =	shalt  }
0x4c: {  	_ =	shalt  }
0x4d: {  	_ =	shalt  }
0x4e: {  	_ =	shalt  }
0x4f: {  	_ =	shalt  }
0x50: {  	_ =	shalt  }
0x51: {  	_ =	shalt  }
0x52: {  	_ =	shalt  }
0x53: {  	_ =	shalt  }
0x54: {  	_ =	shalt  }
0x55: {  	_ =	shalt  }
0x56: {  	_ =	shalt  }
0x57: {  	_ =	shalt  }
0x58: {  	_ =	shalt  }
0x59: {  	_ =	shalt  }
0x5a: {  	_ =	shalt  }
0x5b: {  	_ =	shalt  }
0x5c: {  	_ =	shalt  }
0x5d: {  	_ =	shalt  }
0x5e: {  	_ =	shalt  }
0x5f: {  	_ =	shalt  }
0x60: {  	_ =	shalt  }
0x61: {  	_ =	shalt  }
0x62: {  	_ =	shalt  }
0x63: {  	_ =	shalt  }
0x64: {  	_ =	shalt  }
0x65: {  	_ =	shalt  }
0x66: {  	_ =	shalt  }
0x67: {  	_ =	shalt  }
0x68: {  	_ =	shalt  }
0x69: {  	_ =	shalt  }
0x6a: {  	_ =	shalt  }
0x6b: {  	_ =	shalt  }
0x6c: {  	_ =	shalt  }
0x6d: {  	_ =	shalt  }
0x6e: {  	_ =	shalt  }
0x6f: {  	_ =	shalt  }
0x70: {  	_ =	shalt  }
0x71: {  	_ =	shalt  }
0x72: {  	_ =	shalt  }
0x73: {  	_ =	shalt  }
0x74: {  	_ =	shalt  }
0x75: {  	_ =	shalt  }
0x76: {  	_ =	shalt  }
0x77: {  	_ =	shalt  }
0x78: {  	_ =	shalt  }
0x79: {  	_ =	shalt  }
0x7a: {  	_ =	shalt  }
0x7b: {  	_ =	shalt  }
0x7c: {  	_ =	shalt  }
0x7d: {  	_ =	shalt  }
0x7e: {  	_ =	shalt  }
0x7f: {  	_ =	shalt  }
0x80: {  	_ =	shalt  }
0x81: {  	_ =	shalt  }
0x82: {  	_ =	shalt  }
0x83: {  	_ =	shalt  }
0x84: {  	_ =	shalt  }
0x85: {  	_ =	shalt  }
0x86: {  	_ =	shalt  }
0x87: {  	_ =	shalt  }
.Lfunc_end0:
.L_simem_size_0:
called_computation_lowered:
.L_overlay_start_0:
0x88: {  	s2 =	sld [smem:$0x3FD9]  }
0x89: {  	s3 =	sld [smem:$0x3FFE];
	_ =	sdelay $0x1  }
0x8a: {  	s1 =	srdreg.scid  }
0x8b: {  	s0 =	sand.u32 $0x1, s1  }
0x8c: {  	s18 =	sshll.u32 s0, $0xA;
	s2 =	sadd.s32 s3, s2  }
0x8d: {  	s2 =	sadd.s32 s2, s18  }
0x8e: {  	[smem:$0x3FC1] =	sst s2  }
0x8f: {  	_ = 	snop  }
0x90: {  	s2 =	sld [smem:$0x3FC9]  }
0x91: {  	s19 =	sld [smem:$0x3FC7]  }
0x92: {  	s4 =	sld [smem:$0x3FD0];
	(tm) =	ssettm $0x1  }
0x93: {  	s5 =	sld [smem:$0x3FFB];
	_ =	sdelay $0x3  }
0x94: {  	_ =	strace s5  }
0x95: {  	s5 =	sld [smem:$0x3FFC];
	_ =	sdelay $0x3  }
0x96: {  	_ =	strace s5  }
0x97: {  	s5 =	sld [smem:$0x3FFD];
	_ =	sdelay $0x3  }
0x98: {  	_ =	strace s5  }
0x99: {  	_ =	strace $0x8FFFFFFF  }
0x9a: {  	s20 =	sld [smem:$0x3FDB];
	_ =	sdelay $0x1  }
0x9b: {  	s6 =	simm.s32 $_scs_section_size  }
0x9c: {  	s7 =	simm.s32 $_size__tile_overlayer_lowered;
	s8 =	simm.s32 $_tile_overlayer_lowered  }
0x9d: {  	s23 =	simm.s32 $0x1BFF;
	s22 =	sshll.u32 s8, $0x1;
	s5 =	sadd.s32 s6, s20  }
0x9e: {  	s9 =	simm.s32 $0x0;
	s21 =	sshll.u32 s7, $0x1;
	s7 =	sadd.s32 s22, s5  }
0x9f: {  	[timem:s9], [sflag:s23] =	dma.local [hbm:s7], s21  }
0xa0: {  	_ =	swait.ge [sflag:s23], s21  }
0xa1: {  	s6 =	ssub.s32 $0x0, s21;
	[sflag:s23] =	ssyncset.done $0x0  }
0xa2: {  	[sflag:s23] =	ssyncadd.s32 s6;
	_ =	sdelay $0x1  }
0xa3: {  	s24 =	simm.s32 $0x1B8B  }
0xa4: {  	_ =	swait.ge [sflag:s24], $0x1  }
0xa5: {  	[sflag:s24] =	ssyncset.done $0x0  }
0xa6: {  	s25 =	simm.s32 $0x1B8E;
	[sflag:s24] =	ssyncadd.s32 $0xFFFFFFFF  }
0xa7: {  	s26 =	simm.s32 $execute0_lowered;
	[smem:$0x3FD2] =	sst s25  }
0xa8: {  	s6 =	sshll.u32 s26, $0x1;
	_ =	strace $0x80000046;
	[dreg:$0x1] =	wrdreg $0xFFFFFFFF  }
0xa9: {  	s28 =	simm.s32 $_size_execute0_lowered;
	s5 =	sadd.s32 s5, s6;
	[dreg:$0x0] =	wrdreg $0x0  }
0xaa: {  	s6 =	sshll.u32 s28, $0x1;
	[dreg:$0x2] =	wrdreg s5  }
0xab: {  	[dreg:$0x3] =	wrdreg s6  }
0xac: {  	[dreg:$0x4] =	wrdreg $0xC0  }
0xad: {  	_ =	task [dreg:s9], $0x5FFFF  }
0xae: {  	[dreg:$0x1] =	wrdreg $0xFFFFFFFF  }
0xaf: {  	[dreg:$0x0] =	wrdreg $0x60  }
0xb0: {  	[dreg:$0x2] =	wrdreg s19  }
0xb1: {  	[dreg:$0x3] =	wrdreg s2  }
0xb2: {  	[dreg:$0x4] =	wrdreg s4  }
0xb3: {  	[dreg:$0x5] =	wrdreg $0x9  }
0xb4: {  	_ =	task.clear_ibuf [dreg:s9], $0x6FFFF;
	_ =	strace $0x90000046  }
0xb5: {  	s29 =	simm.s32 $0x9;
	_ =	strace $0x80000048  }
0xb6: {  	_ =	swait.ge [sflag:s29], $0x1  }
0xb7: {  	[sflag:s29] =	ssyncadd.s32 $0xFFFFFFFF  }
0xb8: {  	_ =	strace $0x90000048  }
0xb9: {  	_ =	sfence  }
0xba: {  	s30 =	sld [smem:$0x0];
	_ =	sdelay $0x2  }
0xbb: {  	s31 =	sshll.u32 s1, $0xD;
	s1 =	sshrl.u32 s1, $0x2  }
0xbc: {  	s3 =	sand.u32 $0x4000, s31;
	s1 =	sadd.s32 s1, s30  }
0xbd: {  	s0 =	sor.u32 s3, s0;
	s1 =	sshll.u32 s1, $0x11  }
0xbe: {  	s0 =	sor.u32 s1, s0  }
0xbf: {  	s0 =	sadd.s32 $0x8F2B, s0  }
0xc0: {  	[sflag:s0] =	ssyncadd.remote.s32 $0x1  }
0xc1: {  	_ =	sfence.sel $0xFFFF  }
0xc2: {  	[dreg:$0x0] =	wrdreg $0xFFFFFFFF;
	(pc) =	sbr.abs _section_cstart, $3  }
0xc3: {  	[dreg:$0x1] =	wrdreg $0xFFFFFFFF  }
0xc4: {  	_ =	task.clear_ibuf [dreg:s9], $0x2FFFF;
	_ =	strace $0x9FFFFFFF  }
0xc5: {  	(tm) =	ssettm $0x7FFFFFFF  }
tec
execute0_lowered:
.L_overlay_start_1:
0x0: {  	(tag) =	ssettag $0x1  }
0x1: {  	s1 =	rddreg [dreg:$0x0]  }
0x2: {  	s0 =	rddreg [dreg:$0x1]  }
0x3: {  	s4 =	rddreg [dreg:$0x2];
	s3 =	simm.s32 $0x0  }
0x4: {  	s22 =	simm.s32 $0x880;
	[smem:$0x7FF] =	sst s3  }
0x5: {  	s23 =	simm.s32 $0x1080;
	_ =	strace $0x80000047;
	[dreg:$0x7] =	wrdreg s22  }
0x6: {  	s5 =	srdreg.scid;
	s24 =	simm.s32 $0x1880;
	[dreg:$0x8] =	wrdreg s23  }
0x7: {  	s2 =	stileid.u32;
	s25 =	simm.s32 $0x2080;
	[dreg:$0x9] =	wrdreg s24  }
0x8: {  	s26 =	simm.s32 $0x2880;
	s6 =	sshll.u32 s2, $0x1;
	[dreg:$0xa] =	wrdreg s25  }
0x9: {  	s7 =	sshll.u32 s2, $0x2;
	s2 =	simm.s32 $0x3080;
	[dreg:$0xb] =	wrdreg s26  }
0xa: {  	s10 =	simm.s32 $0x6080;
	s11 =	simm.s32 $0x6880;
	[dreg:$0xc] =	wrdreg s2  }
0xb: {  	s12 =	simm.s32 $0x7080;
	s13 =	simm.s32 $0x7880;
	[dreg:$0x12] =	wrdreg s10  }
0xc: {  	s14 =	simm.s32 $0x8080;
	s15 =	simm.s32 $0x8880;
	[dreg:$0x13] =	wrdreg s11  }
0xd: {  	s16 =	simm.s32 $0x9080;
	s18 =	simm.s32 $0x9880;
	[dreg:$0x14] =	wrdreg s12  }
0xe: {  	s28 =	simm.s32 $0x16080;
	s29 =	simm.s32 $0x16880;
	[dreg:$0x15] =	wrdreg s13  }
0xf: {  	s30 =	simm.s32 $0x17080;
	s5 =	sand.u32 $0x1, s5;
	[dreg:$0x16] =	wrdreg s14  }
0x10: {  	s31 =	simm.s32 $0x17880;
	s6 =	sor.u32 s5, s6;
	[dreg:$0x17] =	wrdreg s15  }
0x11: {  	s7 =	sand.u32 $0x30, s7;
	s17 =	ssub.s32 $0x2, s5;
	[dreg:$0x18] =	wrdreg s16  }
0x12: {  	[dreg:$0x19] =	wrdreg s18;
	s22 =	simm.s32 $0xB080;
	s23 =	simm.s32 $0xB880  }
0x13: {  	s24 =	simm.s32 $0xC880;
	s25 =	simm.s32 $0xD080;
	s26 =	simm.s32 $0xD880  }
0x14: {  	s10 =	simm.s32 $0xC080;
	s12 =	simm.s32 $0xE880;
	s13 =	simm.s32 $0xF080  }
0x15: {  	s14 =	simm.s32 $0xF880;
	s15 =	simm.s32 $0x10080;
	[dreg:$0x1c] =	wrdreg s22  }
0x16: {  	s16 =	simm.s32 $0x10880;
	s18 =	simm.s32 $0x11880;
	[dreg:$0x1d] =	wrdreg s23  }
0x17: {  	s8 =	sshll.u32 s6, $0x6;
	s9 =	smul.u32 $0x18000, s6;
	[dreg:$0x1e] =	wrdreg s24  }
0x18: {  	s0 =	sadd.s32 s0, s7;
	s6 =	smul.u32 $0x3000, s6;
	[dreg:$0x1f] =	wrdreg s25  }
0x19: {  	s7 =	simm.s32 $0x4880;
	s5 =	sshrl.u32 s17, $0x1;
	[smem:$0x7FD] =	sst s26  }
0x1a: {  	s22 =	simm.s32 $0x13880;
	s23 =	simm.s32 $0x14080;
	s8 =	sand.u32 $0x1C0, s8  }
0x1b: {  	s24 =	simm.s32 $0x14880;
	[dreg:$0xf] =	wrdreg s7;
	s0 =	sadd.s32 s8, s0  }
0x1c: {  	s25 =	simm.s32 $0x15080;
	s20 =	sadd.s32 s4, s6;
	[dreg:$0x4] =	wrdreg s0  }
0x1d: {  	s26 =	simm.s32 $0x15880;
	s6 =	simm.s32 $0x4080;
	[dreg:$0x5] =	wrdreg s20  }
0x1e: {  	s7 =	simm.s32 $0x3;
	s8 =	simm.s32 $0x5080;
	[dreg:$0xe] =	wrdreg s6  }
0x1f: {  	s19 =	sshrl.u32 s9, $0x3;
	s9 =	simm.s32 $0x5880;
	[dreg:$0x10] =	wrdreg s8  }
0x20: {  	s4 =	sadd.s32 s4, s19;
	[dreg:$0x11] =	wrdreg s9;
	s19 =	simm.s32 $0xA080  }
0x21: {  	s20 =	ssub.s32 s17, s5;
	s5 =	sadd.s32 $0x200, s1;
	s8 =	simm.s32 $0x80  }
0x22: {  	s9 =	simm.s32 $0x1;
	s17 =	simm.s32 $0x11080;
	s0 =	simm.s32 $0x2  }
0x23: {  	s21 =	sadd.s32 $0x1800, s4;
	s4 =	simm.s32 $0x3880;
	[dreg:$0x1a] =	wrdreg s19  }
0x24: {  	v2 =	vlaneseq.u32;
	s6 =	smax.u32 s20, $0x1;
	s19 =	simm.s32 $0x12080;
	[dreg:$0x6] =	wrdreg s21  }
0x25: {  	vm0 =	vmmov $0xffff;
	v1 =	vshrl.u32 v2, $0x3;
	s20 =	simm.s32 $0x12880;
	[dreg:$0xd] =	wrdreg s4;
	s21 =	simm.s32 $0xA880  }
0x26: {  	v0 =	vand.u32 $0x7, v2;
	v2 =	vor.u32 $0x8, v2;
	v1 =	vmul.u32 $0x8, v1;
	s4 =	sadd.s32 $0x100, s1;
	[dreg:$0x1b] =	wrdreg s21;
	s21 =	simm.s32 $0x13080  }
.LBB2_1:
0x27: {  	s2 =	rddreg [dreg:$0x4]  }
0x28: {  	[tilespmem:s3], [sflag:$0x3] =	stream.linear.gather [hbm4b:s2+s3], $0x80, $0x38;
	[tilespmem:$0x18080] =	vst v63  }
0x29: {  	_ =	swait.ge [sflag:s7], $0x80  }
0x2a: {  	[sflag:s7] =	ssyncset.done $0x0  }
0x2b: {  	[sflag:s7] =	ssyncadd.s32 $0xFFFFFF80  }
0x2c: {  	v3 =	vld [tilespmem:$0x0];
	_ =	sdelay $0x4  }
0x2d: {  	v4 =	vshrl.u32 v3, $0x3  }
0x2e: {  	v4 =	vmul.u32 $0x30, v4  }
0x2f: {  	v3 =	vand.u32 $0x7, v3  }
0x30: {  	v3 =	vor.u32 v3, v4  }
0x31: {  	v4 =	vperm.xlane v3, v0;
	_ =	sdelay $0x1  }
0x32: {  	v4 =	vadd.s32 v1, v4;
	_ =	sdelay $0x3  }
0x33: {  	v3 =	vperm.xlane v3, v2  }
0x34: {  	[tilespmem:s8], [sflag:$0x1] =	stream.indirect_vreg.gather [hbm4b:s1+s3], $0x80, v4, vm0, $0xb8;
	[tilespmem:$0x18080] =	vst v63  }
0x35: {  	s2 =	rddreg [dreg:$0x7];
	v3 =	vadd.s32 v1, v3  }
0x36: {  	[tilespmem:s2], [sflag:$0x1] =	stream.indirect_vreg.gather [hbm4b:s4+s3], $0x80, v4, vm0, $0xb8;
	[tilespmem:$0x18080] =	vst v63  }
0x37: {  	s11 =	rddreg [dreg:$0x8]  }
0x38: {  	[tilespmem:s11], [sflag:$0x1] =	stream.indirect_vreg.gather [hbm4b:s5+s3], $0x80, v4, vm0, $0xb8;
	[tilespmem:$0x18080] =	vst v63  }
0x39: {  	s2 =	rddreg [dreg:$0x9]  }
0x3a: {  	[tilespmem:s2], [sflag:$0x1] =	stream.indirect_vreg.gather [hbm4b:s1+s3], $0x80, v3, vm0, $0xb8;
	[tilespmem:$0x18080] =	vst v63  }
0x3b: {  	s11 =	rddreg [dreg:$0xa]  }
0x3c: {  	[tilespmem:s11], [sflag:$0x1] =	stream.indirect_vreg.gather [hbm4b:s4+s3], $0x80, v3, vm0, $0xb8;
	[tilespmem:$0x18080] =	vst v63  }
0x3d: {  	s2 =	rddreg [dreg:$0xb]  }
0x3e: {  	[tilespmem:s2], [sflag:$0x1] =	stream.indirect_vreg.gather [hbm4b:s5+s3], $0x80, v3, vm0, $0xb8;
	[tilespmem:$0x18080] =	vst v63  }
0x3f: {  	v3 =	vld [tilespmem:$0x10];
	_ =	sdelay $0x4  }
0x40: {  	v57 =	vshrl.u32 v3, $0x3  }
0x41: {  	v4 =	vmul.u32 $0x30, v57  }
0x42: {  	v3 =	vand.u32 $0x7, v3  }
0x43: {  	v3 =	vor.u32 v3, v4  }
0x44: {  	v4 =	vperm.xlane v3, v0;
	_ =	sdelay $0x1  }
0x45: {  	v4 =	vadd.s32 v1, v4;
	_ =	sdelay $0x3  }
0x46: {  	s2 =	rddreg [dreg:$0xc];
	v3 =	vperm.xlane v3, v2  }
0x47: {  	[tilespmem:s2], [sflag:$0x1] =	stream.indirect_vreg.gather [hbm4b:s1+s3], $0x80, v4, vm0, $0xb8;
	[tilespmem:$0x18080] =	vst v63  }
0x48: {  	s11 =	rddreg [dreg:$0xd];
	v3 =	vadd.s32 v1, v3  }
0x49: {  	[tilespmem:s11], [sflag:$0x1] =	stream.indirect_vreg.gather [hbm4b:s4+s3], $0x80, v4, vm0, $0xb8;
	[tilespmem:$0x18080] =	vst v63  }
0x4a: {  	s2 =	rddreg [dreg:$0xe]  }
0x4b: {  	[tilespmem:s2], [sflag:$0x1] =	stream.indirect_vreg.gather [hbm4b:s5+s3], $0x80, v4, vm0, $0xb8;
	[tilespmem:$0x18080] =	vst v63  }
0x4c: {  	s11 =	rddreg [dreg:$0xf]  }
0x4d: {  	[tilespmem:s11], [sflag:$0x1] =	stream.indirect_vreg.gather [hbm4b:s1+s3], $0x80, v3, vm0, $0xb8;
	[tilespmem:$0x18080] =	vst v63  }
0x4e: {  	s2 =	rddreg [dreg:$0x10]  }
0x4f: {  	[tilespmem:s2], [sflag:$0x1] =	stream.indirect_vreg.gather [hbm4b:s4+s3], $0x80, v3, vm0, $0xb8;
	[tilespmem:$0x18080] =	vst v63  }
0x50: {  	s11 =	rddreg [dreg:$0x11]  }
0x51: {  	[tilespmem:s11], [sflag:$0x1] =	stream.indirect_vreg.gather [hbm4b:s5+s3], $0x80, v3, vm0, $0xb8;
	[tilespmem:$0x18080] =	vst v63  }
0x52: {  	v3 =	vld [tilespmem:$0x20];
	_ =	sdelay $0x4  }
0x53: {  	v58 =	vshrl.u32 v3, $0x3  }
0x54: {  	v4 =	vmul.u32 $0x30, v58  }
0x55: {  	v3 =	vand.u32 $0x7, v3  }
0x56: {  	v3 =	vor.u32 v3, v4  }
0x57: {  	v4 =	vperm.xlane v3, v0;
	_ =	sdelay $0x1  }
0x58: {  	v4 =	vadd.s32 v1, v4;
	_ =	sdelay $0x3  }
0x59: {  	s2 =	rddreg [dreg:$0x12];
	v3 =	vperm.xlane v3, v2  }
0x5a: {  	[tilespmem:s2], [sflag:$0x1] =	stream.indirect_vreg.gather [hbm4b:s1+s3], $0x80, v4, vm0, $0xb8;
	[tilespmem:$0x18080] =	vst v63  }
0x5b: {  	s11 =	rddreg [dreg:$0x13];
	v3 =	vadd.s32 v1, v3  }
0x5c: {  	[tilespmem:s11], [sflag:$0x1] =	stream.indirect_vreg.gather [hbm4b:s4+s3], $0x80, v4, vm0, $0xb8;
	[tilespmem:$0x18080] =	vst v63  }
0x5d: {  	s2 =	rddreg [dreg:$0x14]  }
0x5e: {  	[tilespmem:s2], [sflag:$0x1] =	stream.indirect_vreg.gather [hbm4b:s5+s3], $0x80, v4, vm0, $0xb8;
	[tilespmem:$0x18080] =	vst v63  }
0x5f: {  	s11 =	rddreg [dreg:$0x15]  }
0x60: {  	[tilespmem:s11], [sflag:$0x1] =	stream.indirect_vreg.gather [hbm4b:s1+s3], $0x80, v3, vm0, $0xb8;
	[tilespmem:$0x18080] =	vst v63  }
0x61: {  	s2 =	rddreg [dreg:$0x16]  }
0x62: {  	[tilespmem:s2], [sflag:$0x1] =	stream.indirect_vreg.gather [hbm4b:s4+s3], $0x80, v3, vm0, $0xb8;
	[tilespmem:$0x18080] =	vst v63  }
0x63: {  	s11 =	rddreg [dreg:$0x17]  }
0x64: {  	[tilespmem:s11], [sflag:$0x1] =	stream.indirect_vreg.gather [hbm4b:s5+s3], $0x80, v3, vm0, $0xb8;
	[tilespmem:$0x18080] =	vst v63  }
0x65: {  	v3 =	vld [tilespmem:$0x30];
	_ =	sdelay $0x4  }
0x66: {  	v59 =	vshrl.u32 v3, $0x3  }
0x67: {  	v4 =	vmul.u32 $0x30, v59  }
0x68: {  	v3 =	vand.u32 $0x7, v3  }
0x69: {  	v3 =	vor.u32 v3, v4  }
0x6a: {  	v4 =	vperm.xlane v3, v0;
	_ =	sdelay $0x1  }
0x6b: {  	v4 =	vadd.s32 v1, v4;
	_ =	sdelay $0x3  }
0x6c: {  	s2 =	rddreg [dreg:$0x18];
	v3 =	vperm.xlane v3, v2  }
0x6d: {  	[tilespmem:s2], [sflag:$0x1] =	stream.indirect_vreg.gather [hbm4b:s1+s3], $0x80, v4, vm0, $0xb8;
	[tilespmem:$0x18080] =	vst v63  }
0x6e: {  	s11 =	rddreg [dreg:$0x19];
	v3 =	vadd.s32 v1, v3  }
0x6f: {  	[tilespmem:s11], [sflag:$0x1] =	stream.indirect_vreg.gather [hbm4b:s4+s3], $0x80, v4, vm0, $0xb8;
	[tilespmem:$0x18080] =	vst v63  }
0x70: {  	s2 =	rddreg [dreg:$0x1a]  }
0x71: {  	[tilespmem:s2], [sflag:$0x1] =	stream.indirect_vreg.gather [hbm4b:s5+s3], $0x80, v4, vm0, $0xb8;
	[tilespmem:$0x18080] =	vst v63  }
0x72: {  	s11 =	rddreg [dreg:$0x1b]  }
0x73: {  	[tilespmem:s11], [sflag:$0x1] =	stream.indirect_vreg.gather [hbm4b:s1+s3], $0x80, v3, vm0, $0xb8;
	[tilespmem:$0x18080] =	vst v63  }
0x74: {  	s2 =	rddreg [dreg:$0x1c]  }
0x75: {  	[tilespmem:s2], [sflag:$0x1] =	stream.indirect_vreg.gather [hbm4b:s4+s3], $0x80, v3, vm0, $0xb8;
	[tilespmem:$0x18080] =	vst v63  }
0x76: {  	s11 =	rddreg [dreg:$0x1d]  }
0x77: {  	[tilespmem:s11], [sflag:$0x1] =	stream.indirect_vreg.gather [hbm4b:s5+s3], $0x80, v3, vm0, $0xb8;
	[tilespmem:$0x18080] =	vst v63  }
0x78: {  	_ =	swait.ge [sflag:s9], $0xC000  }
0x79: {  	[sflag:s9] =	ssyncset.done $0x0  }
0x7a: {  	[sflag:s9] =	ssyncadd.s32 $0xFFFF4000  }
0x7b: {  	v3 =	vld [tilespmem:$0x40];
	_ =	sdelay $0x4  }
0x7c: {  	v60 =	vshrl.u32 v3, $0x3  }
0x7d: {  	v4 =	vmul.u32 $0x30, v60  }
0x7e: {  	v3 =	vand.u32 $0x7, v3  }
0x7f: {  	v3 =	vor.u32 v3, v4  }
0x80: {  	v4 =	vperm.xlane v3, v0;
	_ =	sdelay $0x1  }
0x81: {  	v4 =	vadd.s32 v1, v4;
	_ =	sdelay $0x3  }
0x82: {  	s2 =	rddreg [dreg:$0x1e];
	v3 =	vperm.xlane v3, v2  }
0x83: {  	[tilespmem:s10], [sflag:$0x2] =	stream.indirect_vreg.gather [hbm4b:s1+s3], $0x80, v4, vm0, $0xb8;
	[tilespmem:$0x18080] =	vst v63  }
0x84: {  	s11 =	rddreg [dreg:$0x1f];
	v3 =	vadd.s32 v1, v3  }
0x85: {  	[tilespmem:s2], [sflag:$0x2] =	stream.indirect_vreg.gather [hbm4b:s4+s3], $0x80, v4, vm0, $0xb8;
	[tilespmem:$0x18080] =	vst v63  }
0x86: {  	s2 =	sld [smem:$0x7FD]  }
0x87: {  	[tilespmem:s11], [sflag:$0x2] =	stream.indirect_vreg.gather [hbm4b:s5+s3], $0x80, v4, vm0, $0xb8;
	[tilespmem:$0x18080] =	vst v63  }
0x88: {  	_ = 	snop  }
0x89: {  	[tilespmem:s2], [sflag:$0x2] =	stream.indirect_vreg.gather [hbm4b:s1+s3], $0x80, v3, vm0, $0xb8;
	[tilespmem:$0x18080] =	vst v63  }
0x8a: {  	s11 =	simm.s32 $0xE080  }
0x8b: {  	[tilespmem:s11], [sflag:$0x2] =	stream.indirect_vreg.gather [hbm4b:s4+s3], $0x80, v3, vm0, $0xb8;
	[tilespmem:$0x18080] =	vst v63  }
0x8c: {  	_ = 	snop  }
0x8d: {  	[tilespmem:s12], [sflag:$0x2] =	stream.indirect_vreg.gather [hbm4b:s5+s3], $0x80, v3, vm0, $0xb8;
	[tilespmem:$0x18080] =	vst v63  }
0x8e: {  	v3 =	vld [tilespmem:$0x50];
	_ =	sdelay $0x4  }
0x8f: {  	v61 =	vshrl.u32 v3, $0x3  }
0x90: {  	v4 =	vmul.u32 $0x30, v61  }
0x91: {  	v3 =	vand.u32 $0x7, v3  }
0x92: {  	v3 =	vor.u32 v3, v4  }
0x93: {  	v4 =	vperm.xlane v3, v0;
	_ =	sdelay $0x1  }
0x94: {  	v4 =	vadd.s32 v1, v4;
	_ =	sdelay $0x3  }
0x95: {  	v3 =	vperm.xlane v3, v2  }
0x96: {  	[tilespmem:s13], [sflag:$0x2] =	stream.indirect_vreg.gather [hbm4b:s1+s3], $0x80, v4, vm0, $0xb8;
	[tilespmem:$0x18080] =	vst v63  }
0x97: {  	v3 =	vadd.s32 v1, v3  }
0x98: {  	[tilespmem:s14], [sflag:$0x2] =	stream.indirect_vreg.gather [hbm4b:s4+s3], $0x80, v4, vm0, $0xb8;
	[tilespmem:$0x18080] =	vst v63  }
0x99: {  	_ = 	snop  }
0x9a: {  	[tilespmem:s15], [sflag:$0x2] =	stream.indirect_vreg.gather [hbm4b:s5+s3], $0x80, v4, vm0, $0xb8;
	[tilespmem:$0x18080] =	vst v63  }
0x9b: {  	_ = 	snop  }
0x9c: {  	[tilespmem:s16], [sflag:$0x2] =	stream.indirect_vreg.gather [hbm4b:s1+s3], $0x80, v3, vm0, $0xb8;
	[tilespmem:$0x18080] =	vst v63  }
0x9d: {  	_ = 	snop  }
0x9e: {  	[tilespmem:s17], [sflag:$0x2] =	stream.indirect_vreg.gather [hbm4b:s4+s3], $0x80, v3, vm0, $0xb8;
	[tilespmem:$0x18080] =	vst v63  }
0x9f: {  	_ = 	snop  }
0xa0: {  	[tilespmem:s18], [sflag:$0x2] =	stream.indirect_vreg.gather [hbm4b:s5+s3], $0x80, v3, vm0, $0xb8;
	[tilespmem:$0x18080] =	vst v63  }
0xa1: {  	v3 =	vld [tilespmem:$0x60];
	_ =	sdelay $0x4  }
0xa2: {  	v62 =	vshrl.u32 v3, $0x3  }
0xa3: {  	v4 =	vmul.u32 $0x30, v62  }
0xa4: {  	v3 =	vand.u32 $0x7, v3  }
0xa5: {  	v3 =	vor.u32 v3, v4  }
0xa6: {  	v4 =	vperm.xlane v3, v0;
	_ =	sdelay $0x1  }
0xa7: {  	v4 =	vadd.s32 v1, v4;
	_ =	sdelay $0x3  }
0xa8: {  	v3 =	vperm.xlane v3, v2  }
0xa9: {  	[tilespmem:s19], [sflag:$0x2] =	stream.indirect_vreg.gather [hbm4b:s1+s3], $0x80, v4, vm0, $0xb8;
	[tilespmem:$0x18080] =	vst v63  }
0xaa: {  	v3 =	vadd.s32 v1, v3  }
0xab: {  	[tilespmem:s20], [sflag:$0x2] =	stream.indirect_vreg.gather [hbm4b:s4+s3], $0x80, v4, vm0, $0xb8;
	[tilespmem:$0x18080] =	vst v63  }
0xac: {  	_ = 	snop  }
0xad: {  	[tilespmem:s21], [sflag:$0x2] =	stream.indirect_vreg.gather [hbm4b:s5+s3], $0x80, v4, vm0, $0xb8;
	[tilespmem:$0x18080] =	vst v63  }
0xae: {  	_ = 	snop  }
0xaf: {  	[tilespmem:s22], [sflag:$0x2] =	stream.indirect_vreg.gather [hbm4b:s1+s3], $0x80, v3, vm0, $0xb8;
	[tilespmem:$0x18080] =	vst v63  }
0xb0: {  	_ = 	snop  }
0xb1: {  	[tilespmem:s23], [sflag:$0x2] =	stream.indirect_vreg.gather [hbm4b:s4+s3], $0x80, v3, vm0, $0xb8;
	[tilespmem:$0x18080] =	vst v63  }
0xb2: {  	_ = 	snop  }
0xb3: {  	[tilespmem:s24], [sflag:$0x2] =	stream.indirect_vreg.gather [hbm4b:s5+s3], $0x80, v3, vm0, $0xb8;
	[tilespmem:$0x18080] =	vst v63  }
0xb4: {  	v3 =	vld [tilespmem:$0x70];
	_ =	sdelay $0x4  }
0xb5: {  	v63 =	vshrl.u32 v3, $0x3  }
0xb6: {  	v4 =	vmul.u32 $0x30, v63  }
0xb7: {  	v3 =	vand.u32 $0x7, v3  }
0xb8: {  	v3 =	vor.u32 v3, v4  }
0xb9: {  	v4 =	vperm.xlane v3, v0;
	_ =	sdelay $0x1  }
0xba: {  	v4 =	vadd.s32 v1, v4;
	_ =	sdelay $0x3  }
0xbb: {  	v3 =	vperm.xlane v3, v2  }
0xbc: {  	[tilespmem:s25], [sflag:$0x2] =	stream.indirect_vreg.gather [hbm4b:s1+s3], $0x80, v4, vm0, $0xb8;
	[tilespmem:$0x18080] =	vst v63  }
0xbd: {  	v3 =	vadd.s32 v1, v3  }
0xbe: {  	[tilespmem:s26], [sflag:$0x2] =	stream.indirect_vreg.gather [hbm4b:s4+s3], $0x80, v4, vm0, $0xb8;
	[tilespmem:$0x18080] =	vst v63  }
0xbf: {  	_ = 	snop  }
0xc0: {  	[tilespmem:s28], [sflag:$0x2] =	stream.indirect_vreg.gather [hbm4b:s5+s3], $0x80, v4, vm0, $0xb8;
	[tilespmem:$0x18080] =	vst v63  }
0xc1: {  	_ = 	snop  }
0xc2: {  	[tilespmem:s29], [sflag:$0x2] =	stream.indirect_vreg.gather [hbm4b:s1+s3], $0x80, v3, vm0, $0xb8;
	[tilespmem:$0x18080] =	vst v63  }
0xc3: {  	_ = 	snop  }
0xc4: {  	[tilespmem:s30], [sflag:$0x2] =	stream.indirect_vreg.gather [hbm4b:s4+s3], $0x80, v3, vm0, $0xb8;
	[tilespmem:$0x18080] =	vst v63  }
0xc5: {  	_ = 	snop  }
0xc6: {  	[tilespmem:s31], [sflag:$0x2] =	stream.indirect_vreg.gather [hbm4b:s5+s3], $0x80, v3, vm0, $0xb8;
	[tilespmem:$0x18080] =	vst v63  }
0xc7: {  	s11 =	rddreg [dreg:$0x5]  }
0xc8: {  	[hbm4b:s11+s3] =	stream.linear.scatter [tilespmem:s8], [sflag:$0x3], $0xC000, $0x38;
	[tilespmem:$0x18080] =	vst v63  }
0xc9: {  	_ =	swait.ge [sflag:s7], $0xC000  }
0xca: {  	[sflag:s7] =	ssyncset.done $0x0  }
0xcb: {  	[sflag:s7] =	ssyncadd.s32 $0xFFFF4000  }
0xcc: {  	_ =	swait.ge [sflag:s0], $0xC000  }
0xcd: {  	p0 =	sne.s32 s6, $0x1;
	[sflag:s0] =	ssyncset.done $0x0  }
.Ltmp0:
0xce: {  	s11 =	rddreg [dreg:$0x6];
	[sflag:s0] =	ssyncadd.s32 $0xFFFF4000;
	(pc) =	sbr.rel @p0 .LBB2_1-.Ltmp0, $4  }
0xcf: {  	[hbm4b:s11+s3] =	stream.linear.scatter [tilespmem:s10], [sflag:$0x3], $0xC000, $0x38;
	[tilespmem:$0x18080] =	vst v63  }
0xd0: {  	_ =	swait.ge [sflag:s7], $0xC000  }
0xd1: {  	[sflag:s7] =	ssyncset.done $0x0  }
0xd2: {  	s6 =	sadd.s32 $0xFFFFFFFF, s6;
	[sflag:s7] =	ssyncadd.s32 $0xFFFF4000  }
0xd3: {  	_ =	sfence.sel $0x180000  }
0xd4: {  	[bflag:$0x0] =	sbarrier.arrive $0xFFFF  }
0xd5: {  	_ =	strace $0x90000047  }
0xd6: {  	s0 =	stileid.u32;
	[bflag:$0x2] =	sbarrier.arrive $0xFFFF  }
0xd7: {  	p0 =	sne.s32 s0, $0x0;
	s0 =	rddreg [dreg:$0x3]  }
0xd8: {  	s0 =	sadd.s32 @!p0 $0x100000, s0  }
0xd9: {  	[sflag:s0] =	ssyncadd.tile.s32 @!p0 $0x1;
	_ =	shalt  }
.Lfunc_end2:
_tile_overlayer_lowered:
.L_overlay_start_2:
0xda: {  	(tag) =	ssettag $0x2  }
0xdb: {  	s0 =	rddreg [dreg:$0x0];
	s2 =	stileid.u32  }
0xdc: {  	s1 =	rddreg [dreg:$0x1];
	p0 =	sne.s32 s2, $0x0  }
0xdd: {  	s3 =	rddreg [dreg:$0x2];
	[bflag:$0x3] =	sbarrier.arrive $0xFFFF;
	s2 =	simm.s32 @!p0 $0x1C03  }
0xde: {  	[timem:s3], [sflag:s2] =	dma.local @!p0 [hbm:s0], s1  }
0xdf: {  	s0 =	simm.s32 @!p0 $0x3  }
0xe0: {  	_ =	swait.ge @!p0 [sflag:s0], s1  }
0xe1: {  	s1 =	ssub.s32 @!p0 $0x0, s1;
	[sflag:s0] =	ssyncset.done @!p0 $0x0  }
0xe2: {  	[sflag:s0] =	ssyncadd.s32 @!p0 s1  }
0xe3: {  	[bflag:$0x3] =	sbarrier.arrive $0xFFFF  }
0xe4: {  	_ =	shalt  }

// kernel: kernel.9.cloned.1.call-start
scs
__scs_entry_jumppad:
0x0: {  	(pc) =	sbr.rel $0x88, $3  }
0x1: {  	(tag) =	ssettag $0x0;
	lr =	simm.s32 $0x1  }
0x2: {  	[smem:$0x3F9A] =	sst lr;
	_ =	strace $0xD0000000  }
0x3: {  	_ = 	snop  }
0x4: {  	_ = 	snop  }
0x5: {  	_ = 	snop  }
0x6: {  	_ = 	snop  }
0x7: {  	_ = 	snop  }
__scs_overlays_trampoline_lowered:
0x8: {  	[smem:$0x3FA9] =	sst s0  }
0x9: {  	[smem:$0x3FAA] =	sst s1  }
0xa: {  	[smem:$0x3FAB] =	sst s2  }
0xb: {  	[smem:$0x3FAC] =	sst s3  }
0xc: {  	[smem:$0x3FAD] =	sst s4  }
0xd: {  	[smem:$0x3FAE] =	sst s5  }
0xe: {  	[smem:$0x3FAF] =	sst s6  }
0xf: {  	[smem:$0x3FB0] =	sst s7  }
0x10: {  	[smem:$0x3FB1] =	sst s8  }
0x11: {  	[smem:$0x3FB2] =	sst s9;
	s0 =	simm.s32 @!p0 $0x0  }
0x12: {  	s1 =	sld [smem:$0x3F98];
	s0 =	simm.s32 @p0 $0x1  }
0x13: {  	[smem:$0x3FB3] =	sst s0;
	s0 =	simm.s32 @!p1 $0x0  }
0x14: {  	s2 =	sld [smem:$0x3F97];
	s0 =	simm.s32 @p1 $0x1  }
0x15: {  	[smem:$0x3FB4] =	sst s0;
	s0 =	simm.s32 @!p2 $0x0  }
0x16: {  	s3 =	sld [smem:$0x3FDB];
	s0 =	simm.s32 @p2 $0x1  }
0x17: {  	s4 =	simm.s32 $0x1BF5;
	[smem:$0x3FB6] =	sst s0  }
0x18: {  	s0 =	sld [smem:$0x3F99];
	_ =	swait.ge [sflag:s4], $0x0  }
0x19: {  	s7 =	sld [smem:$0x3F9A]  }
0x1a: {  	s8 =	sadd.s32 $0xFFFFE003, lr  }
0x1b: {  	s9 =	sadd.s32 $0xFFFFFEF7, lr;
	s5 =	simm.s32 $0xFFFFFFFF;
	p2 =	slt.u32 s8, $0xFFFFF086  }
0x1c: {  	p1 =	slt.u32 s9, $0xF7A;
	s5 =	simm.s32 @!p2 $0x0  }
0x1d: {  	s5 =	simm.s32 @p1 $0x1;
	p0 =	seq.s32 s7, s2  }
0x1e: {  	s7 =	smul.u32 @!p0 $0xF7A, s2;
	p2 =	seq.s32 @!p0 s5, $0x0  }
0x1f: {  	s9 =	smul.u32 $0xF7A, s1;
	s8 =	simm.s32 @!p0 $0x1BF5;
	p2 =	por !p2, p0  }
0x20: {  	[sflag:s8] =	ssyncset.s32 @!p0 $0xFFFFF086;
	s6 =	sadd.s32 @!p0 s3, s7;
	s7 =	simm.s32 @!p0 $0x108  }
0x21: {  	s3 =	sadd.s32 s3, s9;
	s6 =	sadd.s32 @!p0 $0x88, s6;
	s7 =	simm.s32 @p2 $0x1082  }
0x22: {  	[simem:s7], [sflag:s8] =	dma.local @!p0 [hbm:s6], $0xF7A  }
0x23: {  	s9 =	sor.u32 $0xD0000000, s2;
	s6 =	simm.s32 $0x108;
	_ =	swait.ge @!p0 [sflag:s8], $0x0  }
0x24: {  	s3 =	sadd.s32 $0x88, s3;
	s6 =	simm.s32 @!p1 $0x1082;
	[sflag:s4] =	ssyncset.s32 $0xFFFFF086  }
0x25: {  	[simem:s6], [sflag:s4] =	dma.local [hbm:s3], $0xF7A  }
0x26: {  	[smem:$0x3F9A] =	sst s1;
	(tag) =	ssettag s2;
	_ =	strace s9  }
0x27: {  	s1 =	sld [smem:$0x3FAA]  }
0x28: {  	s2 =	sld [smem:$0x3FAB]  }
0x29: {  	s4 =	sld [smem:$0x3FAD]  }
0x2a: {  	p0 =	seq.s32 s5, $0x0;
	s5 =	sld [smem:$0x3FAE]  }
0x2b: {  	s6 =	sld [smem:$0x3FAF]  }
0x2c: {  	s7 =	sld [smem:$0x3FB0]  }
0x2d: {  	s3 =	simm.s32 $0x108;
	s8 =	sld [smem:$0x3FB1]  }
0x2e: {  	s3 =	simm.s32 @!p0 $0x1082;
	s9 =	sld [smem:$0x3FB2]  }
0x2f: {  	lr =	sadd.s32 s0, s3;
	s0 =	sld [smem:$0x3FA9]  }
0x30: {  	s3 =	sld [smem:$0x3FAC]  }
0x31: {  	[smem:$0x3FB5] =	sst s10  }
0x32: {  	s10 =	sld [smem:$0x3FB3];
	_ =	sdelay $0x3  }
0x33: {  	p0 =	seq.s32 s10, $0x1;
	s10 =	sld [smem:$0x3FB5];
	_ =	sdelay $0x3  }
0x34: {  	[smem:$0x3FB5] =	sst s10  }
0x35: {  	s10 =	sld [smem:$0x3FB4];
	_ =	sdelay $0x3  }
0x36: {  	p1 =	seq.s32 s10, $0x1;
	s10 =	sld [smem:$0x3FB5];
	_ =	sdelay $0x3  }
0x37: {  	[smem:$0x3FB5] =	sst s10  }
0x38: {  	s10 =	sld [smem:$0x3FB6]  }
0x39: {  	_ = 	snop;
	(pc) =	sbr.ind lr, $3  }
0x3a: {  	_ = 	snop  }
0x3b: {  	_ = 	snop  }
0x3c: {  	p2 =	seq.s32 s10, $0x1;
	s10 =	sld [smem:$0x3FB5]  }
0x3d: {  	_ =	shalt  }
0x3e: {  	_ =	shalt  }
0x3f: {  	_ =	shalt  }
0x40: {  	_ =	shalt  }
0x41: {  	_ =	shalt  }
0x42: {  	_ =	shalt  }
0x43: {  	_ =	shalt  }
0x44: {  	_ =	shalt  }
0x45: {  	_ =	shalt  }
0x46: {  	_ =	shalt  }
0x47: {  	_ =	shalt  }
0x48: {  	_ =	shalt  }
0x49: {  	_ =	shalt  }
0x4a: {  	_ =	shalt  }
0x4b: {  	_ =	shalt  }
0x4c: {  	_ =	shalt  }
0x4d: {  	_ =	shalt  }
0x4e: {  	_ =	shalt  }
0x4f: {  	_ =	shalt  }
0x50: {  	_ =	shalt  }
0x51: {  	_ =	shalt  }
0x52: {  	_ =	shalt  }
0x53: {  	_ =	shalt  }
0x54: {  	_ =	shalt  }
0x55: {  	_ =	shalt  }
0x56: {  	_ =	shalt  }
0x57: {  	_ =	shalt  }
0x58: {  	_ =	shalt  }
0x59: {  	_ =	shalt  }
0x5a: {  	_ =	shalt  }
0x5b: {  	_ =	shalt  }
0x5c: {  	_ =	shalt  }
0x5d: {  	_ =	shalt  }
0x5e: {  	_ =	shalt  }
0x5f: {  	_ =	shalt  }
0x60: {  	_ =	shalt  }
0x61: {  	_ =	shalt  }
0x62: {  	_ =	shalt  }
0x63: {  	_ =	shalt  }
0x64: {  	_ =	shalt  }
0x65: {  	_ =	shalt  }
0x66: {  	_ =	shalt  }
0x67: {  	_ =	shalt  }
0x68: {  	_ =	shalt  }
0x69: {  	_ =	shalt  }
0x6a: {  	_ =	shalt  }
0x6b: {  	_ =	shalt  }
0x6c: {  	_ =	shalt  }
0x6d: {  	_ =	shalt  }
0x6e: {  	_ =	shalt  }
0x6f: {  	_ =	shalt  }
0x70: {  	_ =	shalt  }
0x71: {  	_ =	shalt  }
0x72: {  	_ =	shalt  }
0x73: {  	_ =	shalt  }
0x74: {  	_ =	shalt  }
0x75: {  	_ =	shalt  }
0x76: {  	_ =	shalt  }
0x77: {  	_ =	shalt  }
0x78: {  	_ =	shalt  }
0x79: {  	_ =	shalt  }
0x7a: {  	_ =	shalt  }
0x7b: {  	_ =	shalt  }
0x7c: {  	_ =	shalt  }
0x7d: {  	_ =	shalt  }
0x7e: {  	_ =	shalt  }
0x7f: {  	_ =	shalt  }
0x80: {  	_ =	shalt  }
0x81: {  	_ =	shalt  }
0x82: {  	_ =	shalt  }
0x83: {  	_ =	shalt  }
0x84: {  	_ =	shalt  }
0x85: {  	_ =	shalt  }
0x86: {  	_ =	shalt  }
0x87: {  	_ =	shalt  }
.Lfunc_end0:
.L_simem_size_0:
called_computation.1_lowered:
.L_overlay_start_0:
0x88: {  	s2 =	sld [smem:$0x3FD9]  }
0x89: {  	s3 =	sld [smem:$0x3FFE];
	_ =	sdelay $0x1  }
0x8a: {  	s1 =	srdreg.scid  }
0x8b: {  	s0 =	sand.u32 $0x1, s1  }
0x8c: {  	s17 =	sshll.u32 s0, $0xA;
	s2 =	sadd.s32 s3, s2  }
0x8d: {  	s2 =	sadd.s32 s2, s17  }
0x8e: {  	[smem:$0x3FC1] =	sst s2  }
0x8f: {  	_ = 	snop  }
0x90: {  	s18 =	sld [smem:$0x3FC9]  }
0x91: {  	s4 =	sld [smem:$0x3FC7];
	(tm) =	ssettm $0x1  }
0x92: {  	s19 =	sld [smem:$0x3FFB];
	_ =	sdelay $0x3  }
0x93: {  	_ =	strace s19  }
0x94: {  	s2 =	sld [smem:$0x3FFC];
	_ =	sdelay $0x3  }
0x95: {  	_ =	strace s2  }
0x96: {  	s2 =	sld [smem:$0x3FFD];
	_ =	sdelay $0x3  }
0x97: {  	_ =	strace s2  }
0x98: {  	_ =	strace $0x8FFFFFFF  }
0x99: {  	s20 =	sld [smem:$0x3FDB];
	_ =	sdelay $0x1  }
0x9a: {  	s5 =	simm.s32 $_scs_section_size  }
0x9b: {  	s6 =	simm.s32 $_size__tile_overlayer_lowered;
	s7 =	simm.s32 $_tile_overlayer_lowered  }
0x9c: {  	s8 =	simm.s32 $0x1BFF;
	s21 =	sshll.u32 s7, $0x1;
	s5 =	sadd.s32 s5, s20  }
0x9d: {  	s22 =	simm.s32 $0x0;
	s6 =	sshll.u32 s6, $0x1;
	s7 =	sadd.s32 s21, s5  }
0x9e: {  	[timem:s22], [sflag:s8] =	dma.local [hbm:s7], s6  }
0x9f: {  	_ =	swait.ge [sflag:s8], s6  }
0xa0: {  	s6 =	ssub.s32 $0x0, s6;
	[sflag:s8] =	ssyncset.done $0x0  }
0xa1: {  	[sflag:s8] =	ssyncadd.s32 s6;
	_ =	sdelay $0x1  }
0xa2: {  	s23 =	simm.s32 $0x1B8B  }
0xa3: {  	_ =	swait.ge [sflag:s23], $0x1  }
0xa4: {  	[sflag:s23] =	ssyncset.done $0x0  }
0xa5: {  	[sflag:s23] =	ssyncadd.s32 $0xFFFFFFFF  }
0xa6: {  	s6 =	sld [smem:$0x0]  }
0xa7: {  	s7 =	sand.u32 $0xFFFFFFFE, s1  }
0xa8: {  	p0 =	sne.s32 s1, s7  }
0xa9: {  	s7 =	sshll.u32 @p0 s7, $0xE  }
0xaa: {  	s7 =	sadd.s32 @p0 $0x11B8D, s7;
	s8 =	sshll.u32 @p0 s6, $0x11  }
0xab: {  	s7 =	sor.u32 @p0 s8, s7  }
0xac: {  	[sflag:s7] =	ssyncadd.remote.s32 @p0 $0x1;
	_ =	sdelay $0x1  }
0xad: {  	s7 =	simm.s32 @p0 $0x1B8D  }
0xae: {  	_ =	swait.eq @p0 [sflag:s7], $0x1  }
0xaf: {  	[sflag:s7] =	ssyncadd.s32 @p0 $0xFFFFFFFF  }
0xb0: {  	s8 =	sshll.u32 @!p0 s1, $0xE  }
0xb1: {  	s8 =	sor.u32 @!p0 $0x4000, s8;
	s7 =	simm.s32 @!p0 $0x1B8D  }
0xb2: {  	s6 =	sshll.u32 @!p0 s6, $0x11;
	s8 =	sadd.s32 @!p0 $0x11B8D, s8;
	_ =	swait.eq @!p0 [sflag:s7], $0x1  }
0xb3: {  	s6 =	sor.u32 @!p0 s6, s8;
	[sflag:s7] =	ssyncadd.s32 @!p0 $0xFFFFFFFF  }
0xb4: {  	s25 =	simm.s32 $0x1B8E;
	s24 =	sld [smem:$0x3FFE];
	[sflag:s6] =	ssyncadd.remote.s32 @!p0 $0x1  }
0xb5: {  	s26 =	simm.s32 $execute0_lowered;
	[smem:$0x3FD2] =	sst s25  }
0xb6: {  	s7 =	sshll.u32 s26, $0x1;
	_ =	strace $0x80000049;
	[dreg:$0x1] =	wrdreg $0xFFFFFFFF  }
0xb7: {  	s28 =	simm.s32 $_size_execute0_lowered;
	s5 =	sadd.s32 s5, s7;
	[dreg:$0x0] =	wrdreg $0x0  }
0xb8: {  	s7 =	sshll.u32 s28, $0x1;
	[dreg:$0x2] =	wrdreg s5  }
0xb9: {  	[dreg:$0x3] =	wrdreg s7  }
0xba: {  	[dreg:$0x4] =	wrdreg $0xC0  }
0xbb: {  	_ =	task [dreg:s22], $0x5FFFF  }
0xbc: {  	[dreg:$0x1] =	wrdreg $0xFFFFFFFF  }
0xbd: {  	[dreg:$0x0] =	wrdreg $0x60  }
0xbe: {  	[dreg:$0x2] =	wrdreg s4  }
0xbf: {  	[dreg:$0x3] =	wrdreg s18  }
0xc0: {  	[dreg:$0x4] =	wrdreg s24  }
0xc1: {  	[dreg:$0x5] =	wrdreg $0xA  }
0xc2: {  	_ =	task.clear_ibuf [dreg:s22], $0x6FFFF;
	_ =	strace $0x90000049  }
0xc3: {  	s29 =	simm.s32 $0xA;
	_ =	strace $0x8000004B  }
0xc4: {  	_ =	swait.ge [sflag:s29], $0x1  }
0xc5: {  	[sflag:s29] =	ssyncadd.s32 $0xFFFFFFFF  }
0xc6: {  	_ =	strace $0x9000004B  }
0xc7: {  	_ =	sfence  }
0xc8: {  	s30 =	sld [smem:$0x0];
	_ =	sdelay $0x2  }
0xc9: {  	s31 =	sshll.u32 s1, $0xD;
	s1 =	sshrl.u32 s1, $0x2  }
0xca: {  	s4 =	sand.u32 $0x4000, s31;
	s1 =	sadd.s32 s1, s30  }
0xcb: {  	s0 =	sor.u32 s4, s0;
	s1 =	sshll.u32 s1, $0x11  }
0xcc: {  	s0 =	sor.u32 s1, s0  }
0xcd: {  	s0 =	sadd.s32 $0x8F2B, s0  }
0xce: {  	[sflag:s0] =	ssyncadd.remote.s32 $0x1  }
0xcf: {  	_ =	sfence.sel $0xFFFF  }
0xd0: {  	[dreg:$0x0] =	wrdreg $0xFFFFFFFF;
	(pc) =	sbr.abs _section_cstart, $3  }
0xd1: {  	[dreg:$0x1] =	wrdreg $0xFFFFFFFF  }
0xd2: {  	_ =	task.clear_ibuf [dreg:s22], $0x2FFFF;
	_ =	strace $0x9FFFFFFF  }
0xd3: {  	(tm) =	ssettm $0x7FFFFFFF  }
tec
execute0_lowered:
.L_overlay_start_1:
0x0: {  	(tag) =	ssettag $0x1  }
0x1: {  	s2 =	srdreg.scid  }
0x2: {  	s0 =	stileid.u32;
	s1 =	rddreg [dreg:$0x0]  }
0x3: {  	s4 =	rddreg [dreg:$0x1];
	s2 =	sand.u32 $0x1, s2;
	s3 =	sshll.u32 s0, $0x1  }
0x4: {  	s6 =	rddreg [dreg:$0x2];
	s5 =	sor.u32 s2, s3;
	s3 =	simm.s32 $0x0  }
0x5: {  	s23 =	simm.s32 $0x880;
	[smem:$0x7FF] =	sst s3  }
0x6: {  	s24 =	simm.s32 $0x1080;
	_ =	strace $0x8000004A;
	[dreg:$0x7] =	wrdreg s23  }
0x7: {  	s25 =	simm.s32 $0x1880;
	[dreg:$0x8] =	wrdreg s24  }
0x8: {  	s26 =	simm.s32 $0x2080;
	s9 =	simm.s32 $0x5080;
	[dreg:$0x9] =	wrdreg s25  }
0x9: {  	s8 =	sshll.u32 s0, $0x2;
	s0 =	simm.s32 $0x2880;
	[dreg:$0xa] =	wrdreg s26  }
0xa: {  	s10 =	simm.s32 $0x5880;
	s11 =	simm.s32 $0x6080;
	[dreg:$0xb] =	wrdreg s0  }
0xb: {  	s12 =	simm.s32 $0x6880;
	s13 =	simm.s32 $0x7080;
	[dreg:$0x10] =	wrdreg s9  }
0xc: {  	s14 =	simm.s32 $0x7880;
	s15 =	simm.s32 $0x8080;
	[dreg:$0x11] =	wrdreg s10  }
0xd: {  	s16 =	simm.s32 $0x8880;
	s17 =	simm.s32 $0x9080;
	[dreg:$0x12] =	wrdreg s11  }
0xe: {  	s28 =	simm.s32 $0x16080;
	s29 =	simm.s32 $0x16880;
	[dreg:$0x13] =	wrdreg s12  }
0xf: {  	s30 =	simm.s32 $0x17080;
	s31 =	simm.s32 $0x17880;
	[dreg:$0x14] =	wrdreg s13  }
0x10: {  	s6 =	sadd.s32 $0x1600, s6;
	s2 =	ssub.s32 $0x2, s2;
	[dreg:$0x15] =	wrdreg s14  }
0x11: {  	s7 =	sshll.u32 s5, $0x6;
	s18 =	smul.u32 $0x18000, s5;
	[dreg:$0x16] =	wrdreg s15  }
0x12: {  	s5 =	smul.u32 $0x3000, s5;
	s7 =	sor.u32 s7, s8;
	[dreg:$0x17] =	wrdreg s16  }
0x13: {  	s8 =	simm.s32 $0x4880;
	[dreg:$0x18] =	wrdreg s17;
	s23 =	simm.s32 $0xB880  }
0x14: {  	s24 =	simm.s32 $0xC880;
	s25 =	simm.s32 $0xD080;
	s26 =	simm.s32 $0xD880  }
0x15: {  	s9 =	simm.s32 $0x1;
	s10 =	simm.s32 $0xC080;
	s12 =	simm.s32 $0xE880  }
0x16: {  	s13 =	simm.s32 $0xF080;
	s14 =	simm.s32 $0xF880;
	s15 =	simm.s32 $0x10080  }
0x17: {  	s16 =	simm.s32 $0x10880;
	s17 =	simm.s32 $0x11080;
	[dreg:$0xf] =	wrdreg s8  }
0x18: {  	s7 =	sand.u32 $0x1F0, s7;
	s19 =	sshrl.u32 s18, $0x3;
	[dreg:$0x1d] =	wrdreg s23  }
0x19: {  	s20 =	sadd.s32 s6, s5;
	s5 =	simm.s32 $0x3080;
	[dreg:$0x1e] =	wrdreg s24  }
0x1a: {  	s18 =	simm.s32 $0x9880;
	s8 =	simm.s32 $0x80;
	[dreg:$0x1f] =	wrdreg s25  }
0x1b: {  	[smem:$0x7FD] =	sst s26;
	s23 =	simm.s32 $0x14080;
	s24 =	simm.s32 $0x14880  }
0x1c: {  	s25 =	simm.s32 $0x15080;
	s26 =	simm.s32 $0x15880;
	[dreg:$0x5] =	wrdreg s20  }
0x1d: {  	s4 =	sadd.s32 s7, s4;
	s21 =	sadd.s32 s6, s19;
	[dreg:$0xc] =	wrdreg s5  }
0x1e: {  	s6 =	simm.s32 $0x3880;
	s7 =	simm.s32 $0x4080;
	[dreg:$0x19] =	wrdreg s18  }
0x1f: {  	s19 =	sshrl.u32 s2, $0x1;
	s20 =	simm.s32 $0xA080;
	[dreg:$0xd] =	wrdreg s6  }
0x20: {  	s5 =	sadd.s32 $0x200, s1;
	s18 =	simm.s32 $0x11880;
	[dreg:$0xe] =	wrdreg s7  }
0x21: {  	s4 =	sadd.s32 $0x200, s4;
	s22 =	sadd.s32 $0x1800, s21;
	[dreg:$0x1a] =	wrdreg s20  }
0x22: {  	s2 =	ssub.s32 s2, s19;
	s21 =	simm.s32 $0xA880;
	[dreg:$0x4] =	wrdreg s4  }
0x23: {  	s7 =	simm.s32 $0x3;
	s19 =	simm.s32 $0x12080;
	[dreg:$0x6] =	wrdreg s22  }
0x24: {  	v2 =	vlaneseq.u32;
	s20 =	simm.s32 $0x12880;
	s4 =	sadd.s32 $0x100, s1;
	[dreg:$0x1b] =	wrdreg s21  }
0x25: {  	vm0 =	vmmov $0xffff;
	v1 =	vshrl.u32 v2, $0x3;
	s22 =	simm.s32 $0xB080;
	s6 =	smax.u32 s2, $0x1;
	s21 =	simm.s32 $0x13080  }
0x26: {  	v0 =	vand.u32 $0x7, v2;
	v2 =	vor.u32 $0x8, v2;
	v1 =	vmul.u32 $0x8, v1;
	s2 =	simm.s32 $0x2;
	[dreg:$0x1c] =	wrdreg s22;
	s22 =	simm.s32 $0x13880  }
.LBB2_1:
0x27: {  	s0 =	rddreg [dreg:$0x4]  }
0x28: {  	[tilespmem:s3], [sflag:$0x3] =	stream.linear.gather [hbm4b:s0+s3], $0x80, $0x38;
	[tilespmem:$0x18080] =	vst v63  }
0x29: {  	_ =	swait.ge [sflag:s7], $0x80  }
0x2a: {  	[sflag:s7] =	ssyncset.done $0x0  }
0x2b: {  	[sflag:s7] =	ssyncadd.s32 $0xFFFFFF80  }
0x2c: {  	v3 =	vld [tilespmem:$0x0];
	_ =	sdelay $0x4  }
0x2d: {  	v4 =	vshrl.u32 v3, $0x3  }
0x2e: {  	v4 =	vmul.u32 $0x30, v4  }
0x2f: {  	v3 =	vand.u32 $0x7, v3  }
0x30: {  	v3 =	vor.u32 v3, v4  }
0x31: {  	v4 =	vperm.xlane v3, v0;
	_ =	sdelay $0x1  }
0x32: {  	v4 =	vadd.s32 v1, v4;
	_ =	sdelay $0x3  }
0x33: {  	v3 =	vperm.xlane v3, v2  }
0x34: {  	[tilespmem:s8], [sflag:$0x1] =	stream.indirect_vreg.gather [hbm4b:s1+s3], $0x80, v4, vm0, $0xb8;
	[tilespmem:$0x18080] =	vst v63  }
0x35: {  	s0 =	rddreg [dreg:$0x7];
	v3 =	vadd.s32 v1, v3  }
0x36: {  	[tilespmem:s0], [sflag:$0x1] =	stream.indirect_vreg.gather [hbm4b:s4+s3], $0x80, v4, vm0, $0xb8;
	[tilespmem:$0x18080] =	vst v63  }
0x37: {  	s11 =	rddreg [dreg:$0x8]  }
0x38: {  	[tilespmem:s11], [sflag:$0x1] =	stream.indirect_vreg.gather [hbm4b:s5+s3], $0x80, v4, vm0, $0xb8;
	[tilespmem:$0x18080] =	vst v63  }
0x39: {  	s0 =	rddreg [dreg:$0x9]  }
0x3a: {  	[tilespmem:s0], [sflag:$0x1] =	stream.indirect_vreg.gather [hbm4b:s1+s3], $0x80, v3, vm0, $0xb8;
	[tilespmem:$0x18080] =	vst v63  }
0x3b: {  	s11 =	rddreg [dreg:$0xa]  }
0x3c: {  	[tilespmem:s11], [sflag:$0x1] =	stream.indirect_vreg.gather [hbm4b:s4+s3], $0x80, v3, vm0, $0xb8;
	[tilespmem:$0x18080] =	vst v63  }
0x3d: {  	s0 =	rddreg [dreg:$0xb]  }
0x3e: {  	[tilespmem:s0], [sflag:$0x1] =	stream.indirect_vreg.gather [hbm4b:s5+s3], $0x80, v3, vm0, $0xb8;
	[tilespmem:$0x18080] =	vst v63  }
0x3f: {  	v3 =	vld [tilespmem:$0x10];
	_ =	sdelay $0x4  }
0x40: {  	v57 =	vshrl.u32 v3, $0x3  }
0x41: {  	v4 =	vmul.u32 $0x30, v57  }
0x42: {  	v3 =	vand.u32 $0x7, v3  }
0x43: {  	v3 =	vor.u32 v3, v4  }
0x44: {  	v4 =	vperm.xlane v3, v0;
	_ =	sdelay $0x1  }
0x45: {  	v4 =	vadd.s32 v1, v4;
	_ =	sdelay $0x3  }
0x46: {  	s0 =	rddreg [dreg:$0xc];
	v3 =	vperm.xlane v3, v2  }
0x47: {  	[tilespmem:s0], [sflag:$0x1] =	stream.indirect_vreg.gather [hbm4b:s1+s3], $0x80, v4, vm0, $0xb8;
	[tilespmem:$0x18080] =	vst v63  }
0x48: {  	s11 =	rddreg [dreg:$0xd];
	v3 =	vadd.s32 v1, v3  }
0x49: {  	[tilespmem:s11], [sflag:$0x1] =	stream.indirect_vreg.gather [hbm4b:s4+s3], $0x80, v4, vm0, $0xb8;
	[tilespmem:$0x18080] =	vst v63  }
0x4a: {  	s0 =	rddreg [dreg:$0xe]  }
0x4b: {  	[tilespmem:s0], [sflag:$0x1] =	stream.indirect_vreg.gather [hbm4b:s5+s3], $0x80, v4, vm0, $0xb8;
	[tilespmem:$0x18080] =	vst v63  }
0x4c: {  	s11 =	rddreg [dreg:$0xf]  }
0x4d: {  	[tilespmem:s11], [sflag:$0x1] =	stream.indirect_vreg.gather [hbm4b:s1+s3], $0x80, v3, vm0, $0xb8;
	[tilespmem:$0x18080] =	vst v63  }
0x4e: {  	s0 =	rddreg [dreg:$0x10]  }
0x4f: {  	[tilespmem:s0], [sflag:$0x1] =	stream.indirect_vreg.gather [hbm4b:s4+s3], $0x80, v3, vm0, $0xb8;
	[tilespmem:$0x18080] =	vst v63  }
0x50: {  	s11 =	rddreg [dreg:$0x11]  }
0x51: {  	[tilespmem:s11], [sflag:$0x1] =	stream.indirect_vreg.gather [hbm4b:s5+s3], $0x80, v3, vm0, $0xb8;
	[tilespmem:$0x18080] =	vst v63  }
0x52: {  	v3 =	vld [tilespmem:$0x20];
	_ =	sdelay $0x4  }
0x53: {  	v58 =	vshrl.u32 v3, $0x3  }
0x54: {  	v4 =	vmul.u32 $0x30, v58  }
0x55: {  	v3 =	vand.u32 $0x7, v3  }
0x56: {  	v3 =	vor.u32 v3, v4  }
0x57: {  	v4 =	vperm.xlane v3, v0;
	_ =	sdelay $0x1  }
0x58: {  	v4 =	vadd.s32 v1, v4;
	_ =	sdelay $0x3  }
0x59: {  	s0 =	rddreg [dreg:$0x12];
	v3 =	vperm.xlane v3, v2  }
0x5a: {  	[tilespmem:s0], [sflag:$0x1] =	stream.indirect_vreg.gather [hbm4b:s1+s3], $0x80, v4, vm0, $0xb8;
	[tilespmem:$0x18080] =	vst v63  }
0x5b: {  	s11 =	rddreg [dreg:$0x13];
	v3 =	vadd.s32 v1, v3  }
0x5c: {  	[tilespmem:s11], [sflag:$0x1] =	stream.indirect_vreg.gather [hbm4b:s4+s3], $0x80, v4, vm0, $0xb8;
	[tilespmem:$0x18080] =	vst v63  }
0x5d: {  	s0 =	rddreg [dreg:$0x14]  }
0x5e: {  	[tilespmem:s0], [sflag:$0x1] =	stream.indirect_vreg.gather [hbm4b:s5+s3], $0x80, v4, vm0, $0xb8;
	[tilespmem:$0x18080] =	vst v63  }
0x5f: {  	s11 =	rddreg [dreg:$0x15]  }
0x60: {  	[tilespmem:s11], [sflag:$0x1] =	stream.indirect_vreg.gather [hbm4b:s1+s3], $0x80, v3, vm0, $0xb8;
	[tilespmem:$0x18080] =	vst v63  }
0x61: {  	s0 =	rddreg [dreg:$0x16]  }
0x62: {  	[tilespmem:s0], [sflag:$0x1] =	stream.indirect_vreg.gather [hbm4b:s4+s3], $0x80, v3, vm0, $0xb8;
	[tilespmem:$0x18080] =	vst v63  }
0x63: {  	s11 =	rddreg [dreg:$0x17]  }
0x64: {  	[tilespmem:s11], [sflag:$0x1] =	stream.indirect_vreg.gather [hbm4b:s5+s3], $0x80, v3, vm0, $0xb8;
	[tilespmem:$0x18080] =	vst v63  }
0x65: {  	v3 =	vld [tilespmem:$0x30];
	_ =	sdelay $0x4  }
0x66: {  	v59 =	vshrl.u32 v3, $0x3  }
0x67: {  	v4 =	vmul.u32 $0x30, v59  }
0x68: {  	v3 =	vand.u32 $0x7, v3  }
0x69: {  	v3 =	vor.u32 v3, v4  }
0x6a: {  	v4 =	vperm.xlane v3, v0;
	_ =	sdelay $0x1  }
0x6b: {  	v4 =	vadd.s32 v1, v4;
	_ =	sdelay $0x3  }
0x6c: {  	s0 =	rddreg [dreg:$0x18];
	v3 =	vperm.xlane v3, v2  }
0x6d: {  	[tilespmem:s0], [sflag:$0x1] =	stream.indirect_vreg.gather [hbm4b:s1+s3], $0x80, v4, vm0, $0xb8;
	[tilespmem:$0x18080] =	vst v63  }
0x6e: {  	s11 =	rddreg [dreg:$0x19];
	v3 =	vadd.s32 v1, v3  }
0x6f: {  	[tilespmem:s11], [sflag:$0x1] =	stream.indirect_vreg.gather [hbm4b:s4+s3], $0x80, v4, vm0, $0xb8;
	[tilespmem:$0x18080] =	vst v63  }
0x70: {  	s0 =	rddreg [dreg:$0x1a]  }
0x71: {  	[tilespmem:s0], [sflag:$0x1] =	stream.indirect_vreg.gather [hbm4b:s5+s3], $0x80, v4, vm0, $0xb8;
	[tilespmem:$0x18080] =	vst v63  }
0x72: {  	s11 =	rddreg [dreg:$0x1b]  }
0x73: {  	[tilespmem:s11], [sflag:$0x1] =	stream.indirect_vreg.gather [hbm4b:s1+s3], $0x80, v3, vm0, $0xb8;
	[tilespmem:$0x18080] =	vst v63  }
0x74: {  	s0 =	rddreg [dreg:$0x1c]  }
0x75: {  	[tilespmem:s0], [sflag:$0x1] =	stream.indirect_vreg.gather [hbm4b:s4+s3], $0x80, v3, vm0, $0xb8;
	[tilespmem:$0x18080] =	vst v63  }
0x76: {  	s11 =	rddreg [dreg:$0x1d]  }
0x77: {  	[tilespmem:s11], [sflag:$0x1] =	stream.indirect_vreg.gather [hbm4b:s5+s3], $0x80, v3, vm0, $0xb8;
	[tilespmem:$0x18080] =	vst v63  }
0x78: {  	_ =	swait.ge [sflag:s9], $0xC000  }
0x79: {  	[sflag:s9] =	ssyncset.done $0x0  }
0x7a: {  	[sflag:s9] =	ssyncadd.s32 $0xFFFF4000  }
0x7b: {  	v3 =	vld [tilespmem:$0x40];
	_ =	sdelay $0x4  }
0x7c: {  	v60 =	vshrl.u32 v3, $0x3  }
0x7d: {  	v4 =	vmul.u32 $0x30, v60  }
0x7e: {  	v3 =	vand.u32 $0x7, v3  }
0x7f: {  	v3 =	vor.u32 v3, v4  }
0x80: {  	v4 =	vperm.xlane v3, v0;
	_ =	sdelay $0x1  }
0x81: {  	v4 =	vadd.s32 v1, v4;
	_ =	sdelay $0x3  }
0x82: {  	s0 =	rddreg [dreg:$0x1e];
	v3 =	vperm.xlane v3, v2  }
0x83: {  	[tilespmem:s10], [sflag:$0x2] =	stream.indirect_vreg.gather [hbm4b:s1+s3], $0x80, v4, vm0, $0xb8;
	[tilespmem:$0x18080] =	vst v63  }
0x84: {  	s11 =	rddreg [dreg:$0x1f];
	v3 =	vadd.s32 v1, v3  }
0x85: {  	[tilespmem:s0], [sflag:$0x2] =	stream.indirect_vreg.gather [hbm4b:s4+s3], $0x80, v4, vm0, $0xb8;
	[tilespmem:$0x18080] =	vst v63  }
0x86: {  	s0 =	sld [smem:$0x7FD]  }
0x87: {  	[tilespmem:s11], [sflag:$0x2] =	stream.indirect_vreg.gather [hbm4b:s5+s3], $0x80, v4, vm0, $0xb8;
	[tilespmem:$0x18080] =	vst v63  }
0x88: {  	_ = 	snop  }
0x89: {  	[tilespmem:s0], [sflag:$0x2] =	stream.indirect_vreg.gather [hbm4b:s1+s3], $0x80, v3, vm0, $0xb8;
	[tilespmem:$0x18080] =	vst v63  }
0x8a: {  	s11 =	simm.s32 $0xE080  }
0x8b: {  	[tilespmem:s11], [sflag:$0x2] =	stream.indirect_vreg.gather [hbm4b:s4+s3], $0x80, v3, vm0, $0xb8;
	[tilespmem:$0x18080] =	vst v63  }
0x8c: {  	_ = 	snop  }
0x8d: {  	[tilespmem:s12], [sflag:$0x2] =	stream.indirect_vreg.gather [hbm4b:s5+s3], $0x80, v3, vm0, $0xb8;
	[tilespmem:$0x18080] =	vst v63  }
0x8e: {  	v3 =	vld [tilespmem:$0x50];
	_ =	sdelay $0x4  }
0x8f: {  	v61 =	vshrl.u32 v3, $0x3  }
0x90: {  	v4 =	vmul.u32 $0x30, v61  }
0x91: {  	v3 =	vand.u32 $0x7, v3  }
0x92: {  	v3 =	vor.u32 v3, v4  }
0x93: {  	v4 =	vperm.xlane v3, v0;
	_ =	sdelay $0x1  }
0x94: {  	v4 =	vadd.s32 v1, v4;
	_ =	sdelay $0x3  }
0x95: {  	v3 =	vperm.xlane v3, v2  }
0x96: {  	[tilespmem:s13], [sflag:$0x2] =	stream.indirect_vreg.gather [hbm4b:s1+s3], $0x80, v4, vm0, $0xb8;
	[tilespmem:$0x18080] =	vst v63  }
0x97: {  	v3 =	vadd.s32 v1, v3  }
0x98: {  	[tilespmem:s14], [sflag:$0x2] =	stream.indirect_vreg.gather [hbm4b:s4+s3], $0x80, v4, vm0, $0xb8;
	[tilespmem:$0x18080] =	vst v63  }
0x99: {  	_ = 	snop  }
0x9a: {  	[tilespmem:s15], [sflag:$0x2] =	stream.indirect_vreg.gather [hbm4b:s5+s3], $0x80, v4, vm0, $0xb8;
	[tilespmem:$0x18080] =	vst v63  }
0x9b: {  	_ = 	snop  }
0x9c: {  	[tilespmem:s16], [sflag:$0x2] =	stream.indirect_vreg.gather [hbm4b:s1+s3], $0x80, v3, vm0, $0xb8;
	[tilespmem:$0x18080] =	vst v63  }
0x9d: {  	_ = 	snop  }
0x9e: {  	[tilespmem:s17], [sflag:$0x2] =	stream.indirect_vreg.gather [hbm4b:s4+s3], $0x80, v3, vm0, $0xb8;
	[tilespmem:$0x18080] =	vst v63  }
0x9f: {  	_ = 	snop  }
0xa0: {  	[tilespmem:s18], [sflag:$0x2] =	stream.indirect_vreg.gather [hbm4b:s5+s3], $0x80, v3, vm0, $0xb8;
	[tilespmem:$0x18080] =	vst v63  }
0xa1: {  	v3 =	vld [tilespmem:$0x60];
	_ =	sdelay $0x4  }
0xa2: {  	v62 =	vshrl.u32 v3, $0x3  }
0xa3: {  	v4 =	vmul.u32 $0x30, v62  }
0xa4: {  	v3 =	vand.u32 $0x7, v3  }
0xa5: {  	v3 =	vor.u32 v3, v4  }
0xa6: {  	v4 =	vperm.xlane v3, v0;
	_ =	sdelay $0x1  }
0xa7: {  	v4 =	vadd.s32 v1, v4;
	_ =	sdelay $0x3  }
0xa8: {  	v3 =	vperm.xlane v3, v2  }
0xa9: {  	[tilespmem:s19], [sflag:$0x2] =	stream.indirect_vreg.gather [hbm4b:s1+s3], $0x80, v4, vm0, $0xb8;
	[tilespmem:$0x18080] =	vst v63  }
0xaa: {  	v3 =	vadd.s32 v1, v3  }
0xab: {  	[tilespmem:s20], [sflag:$0x2] =	stream.indirect_vreg.gather [hbm4b:s4+s3], $0x80, v4, vm0, $0xb8;
	[tilespmem:$0x18080] =	vst v63  }
0xac: {  	_ = 	snop  }
0xad: {  	[tilespmem:s21], [sflag:$0x2] =	stream.indirect_vreg.gather [hbm4b:s5+s3], $0x80, v4, vm0, $0xb8;
	[tilespmem:$0x18080] =	vst v63  }
0xae: {  	_ = 	snop  }
0xaf: {  	[tilespmem:s22], [sflag:$0x2] =	stream.indirect_vreg.gather [hbm4b:s1+s3], $0x80, v3, vm0, $0xb8;
	[tilespmem:$0x18080] =	vst v63  }
0xb0: {  	_ = 	snop  }
0xb1: {  	[tilespmem:s23], [sflag:$0x2] =	stream.indirect_vreg.gather [hbm4b:s4+s3], $0x80, v3, vm0, $0xb8;
	[tilespmem:$0x18080] =	vst v63  }
0xb2: {  	_ = 	snop  }
0xb3: {  	[tilespmem:s24], [sflag:$0x2] =	stream.indirect_vreg.gather [hbm4b:s5+s3], $0x80, v3, vm0, $0xb8;
	[tilespmem:$0x18080] =	vst v63  }
0xb4: {  	v3 =	vld [tilespmem:$0x70];
	_ =	sdelay $0x4  }
0xb5: {  	v63 =	vshrl.u32 v3, $0x3  }
0xb6: {  	v4 =	vmul.u32 $0x30, v63  }
0xb7: {  	v3 =	vand.u32 $0x7, v3  }
0xb8: {  	v3 =	vor.u32 v3, v4  }
0xb9: {  	v4 =	vperm.xlane v3, v0;
	_ =	sdelay $0x1  }
0xba: {  	v4 =	vadd.s32 v1, v4;
	_ =	sdelay $0x3  }
0xbb: {  	v3 =	vperm.xlane v3, v2  }
0xbc: {  	[tilespmem:s25], [sflag:$0x2] =	stream.indirect_vreg.gather [hbm4b:s1+s3], $0x80, v4, vm0, $0xb8;
	[tilespmem:$0x18080] =	vst v63  }
0xbd: {  	v3 =	vadd.s32 v1, v3  }
0xbe: {  	[tilespmem:s26], [sflag:$0x2] =	stream.indirect_vreg.gather [hbm4b:s4+s3], $0x80, v4, vm0, $0xb8;
	[tilespmem:$0x18080] =	vst v63  }
0xbf: {  	_ = 	snop  }
0xc0: {  	[tilespmem:s28], [sflag:$0x2] =	stream.indirect_vreg.gather [hbm4b:s5+s3], $0x80, v4, vm0, $0xb8;
	[tilespmem:$0x18080] =	vst v63  }
0xc1: {  	_ = 	snop  }
0xc2: {  	[tilespmem:s29], [sflag:$0x2] =	stream.indirect_vreg.gather [hbm4b:s1+s3], $0x80, v3, vm0, $0xb8;
	[tilespmem:$0x18080] =	vst v63  }
0xc3: {  	_ = 	snop  }
0xc4: {  	[tilespmem:s30], [sflag:$0x2] =	stream.indirect_vreg.gather [hbm4b:s4+s3], $0x80, v3, vm0, $0xb8;
	[tilespmem:$0x18080] =	vst v63  }
0xc5: {  	_ = 	snop  }
0xc6: {  	[tilespmem:s31], [sflag:$0x2] =	stream.indirect_vreg.gather [hbm4b:s5+s3], $0x80, v3, vm0, $0xb8;
	[tilespmem:$0x18080] =	vst v63  }
0xc7: {  	s11 =	rddreg [dreg:$0x5]  }
0xc8: {  	[hbm4b:s11+s3] =	stream.linear.scatter [tilespmem:s8], [sflag:$0x3], $0xC000, $0x38;
	[tilespmem:$0x18080] =	vst v63  }
0xc9: {  	_ =	swait.ge [sflag:s7], $0xC000  }
0xca: {  	[sflag:s7] =	ssyncset.done $0x0  }
0xcb: {  	[sflag:s7] =	ssyncadd.s32 $0xFFFF4000  }
0xcc: {  	_ =	swait.ge [sflag:s2], $0xC000  }
0xcd: {  	p0 =	sne.s32 s6, $0x1;
	[sflag:s2] =	ssyncset.done $0x0  }
.Ltmp0:
0xce: {  	s11 =	rddreg [dreg:$0x6];
	[sflag:s2] =	ssyncadd.s32 $0xFFFF4000;
	(pc) =	sbr.rel @p0 .LBB2_1-.Ltmp0, $4  }
0xcf: {  	[hbm4b:s11+s3] =	stream.linear.scatter [tilespmem:s10], [sflag:$0x3], $0xC000, $0x38;
	[tilespmem:$0x18080] =	vst v63  }
0xd0: {  	_ =	swait.ge [sflag:s7], $0xC000  }
0xd1: {  	[sflag:s7] =	ssyncset.done $0x0  }
0xd2: {  	s6 =	sadd.s32 $0xFFFFFFFF, s6;
	[sflag:s7] =	ssyncadd.s32 $0xFFFF4000  }
0xd3: {  	_ =	sfence.sel $0x180000  }
0xd4: {  	[bflag:$0x0] =	sbarrier.arrive $0xFFFF  }
0xd5: {  	_ =	strace $0x9000004A  }
0xd6: {  	s0 =	stileid.u32;
	[bflag:$0x2] =	sbarrier.arrive $0xFFFF  }
0xd7: {  	p0 =	sne.s32 s0, $0x0;
	s0 =	rddreg [dreg:$0x3]  }
0xd8: {  	s0 =	sadd.s32 @!p0 $0x100000, s0  }
0xd9: {  	[sflag:s0] =	ssyncadd.tile.s32 @!p0 $0x1;
	_ =	shalt  }
.Lfunc_end2:
_tile_overlayer_lowered:
.L_overlay_start_2:
0xda: {  	(tag) =	ssettag $0x2  }
0xdb: {  	s0 =	rddreg [dreg:$0x0];
	s2 =	stileid.u32  }
0xdc: {  	s1 =	rddreg [dreg:$0x1];
	p0 =	sne.s32 s2, $0x0  }
0xdd: {  	s3 =	rddreg [dreg:$0x2];
	[bflag:$0x3] =	sbarrier.arrive $0xFFFF;
	s2 =	simm.s32 @!p0 $0x1C03  }
0xde: {  	[timem:s3], [sflag:s2] =	dma.local @!p0 [hbm:s0], s1  }
0xdf: {  	s0 =	simm.s32 @!p0 $0x3  }
0xe0: {  	_ =	swait.ge @!p0 [sflag:s0], s1  }
0xe1: {  	s1 =	ssub.s32 @!p0 $0x0, s1;
	[sflag:s0] =	ssyncset.done @!p0 $0x0  }
0xe2: {  	[sflag:s0] =	ssyncadd.s32 @!p0 s1  }
0xe3: {  	[bflag:$0x3] =	sbarrier.arrive $0xFFFF  }
0xe4: {  	_ =	shalt  }

</sc_bundles>
